<compile_context>
chip_gen: v7x
topology: tpu7x:2x2x1
jax: 0.10.2.dev20260603
libtpu: 0.0.44.dev20260713+nightly
codegen_flags: <defaults>
</compile_context>

<pallas_src>
import functools

import jax
import jax.numpy as jnp
from jax import lax
from jax.experimental import pallas as pl
from jax.experimental.pallas import tpu as pltpu
from jax.experimental.pallas import tpu_sc as plsc

B, N, D, H, W, C = 2, 6, 41, 16, 44, 64
P = B * N * D * H * W
HW = H * W
NCHUNK = N * D
PAD_ROWS = 6
NX = 200
NCELL = NX * NX
ACC_ROWS = NCELL + 16
ZERO_PER_TILE = ACC_ROWS // 16
OUT_PER_TILE = NCELL // 16
CHALF = C // 2


def _cells(intrinsics, pose):
    ds_vals = jnp.arange(4.0, 45.0, 1.0, dtype=jnp.float32)
    ogf_h, ogf_w = H * 16, W * 16
    ones = jnp.ones((D, H, W), jnp.float32)
    ds_b = ds_vals.reshape(D, 1, 1) * ones
    xs = jnp.linspace(0.0, ogf_w - 1.0, W, dtype=jnp.float32).reshape(1, 1, W) * ones
    ys = jnp.linspace(0.0, ogf_h - 1.0, H, dtype=jnp.float32).reshape(1, H, 1) * ones
    frustum = jnp.stack((xs, ys, ds_b), -1)
    rots = pose[..., :3, :3]
    trans = pose[..., :3, 3]
    pts = jnp.concatenate(
        [frustum[..., :2] * frustum[..., 2:3], frustum[..., 2:3]], -1)
    combine = rots @ jnp.linalg.inv(intrinsics)
    geom = (jnp.einsum('bnij,dhwj->bndhwi', combine, pts)
            + trans[:, :, None, None, None, :])
    gf = jax.lax.stop_gradient(geom.reshape(P, 3))
    gx = gf[:, 0] * 2.0 + 100.0
    gy = gf[:, 1] * 2.0 + 100.0
    gz = (gf[:, 2] - 0.0 + 20.0 / 2.0) / 20.0
    ix = gx.astype(jnp.int32)
    iy = gy.astype(jnp.int32)
    iz = gz.astype(jnp.int32)
    kept = ((ix >= 0) & (ix < NX) & (iy >= 0) & (iy < NX)
            & (iz >= 0) & (iz < 1))
    return jnp.where(kept, ix * NX + iy, NCELL)


def _scatter_body(x_hbm, cellp_hbm, zeros_hbm, out_hbm, data_v, idx_v, acc_sh):
    core = lax.axis_index("c")
    sub = lax.axis_index("s")
    for p in range(2):
        zr = sub * ZERO_PER_TILE
        pltpu.sync_copy(zeros_hbm.at[pl.ds(zr, ZERO_PER_TILE)],
                        acc_sh.at[pl.ds(zr, ZERO_PER_TILE)])
        plsc.subcore_barrier()

        @pl.loop(sub, NCHUNK, step=16)
        def _chunk(ci):
            n = ci // D
            d = ci - n * D
            pltpu.sync_copy(cellp_hbm.at[core * NCHUNK + ci], idx_v)
            pltpu.sync_copy(
                x_hbm.at[core, n, d, pl.ds(0, HW), pl.ds(p * CHALF, CHALF)],
                data_v.at[pl.ds(0, HW)])
            for j in range(PAD_ROWS):
                pltpu.sync_copy(data_v.at[pl.ds(j * 128, 128)],
                                acc_sh.at[idx_v.at[j]], add=True)

        plsc.subcore_barrier()
        orow = sub * OUT_PER_TILE
        pltpu.sync_copy(acc_sh.at[pl.ds(orow, OUT_PER_TILE)],
                        out_hbm.at[core, p, pl.ds(orow, OUT_PER_TILE)])
        plsc.subcore_barrier()


_scatter_call = functools.partial(
    pl.kernel,
    out_type=jax.ShapeDtypeStruct((B, 2, NCELL, CHALF), jnp.float32),
    mesh=plsc.VectorSubcoreMesh(core_axis_name="c", subcore_axis_name="s"),
    scratch_types=[
        pltpu.VMEM((PAD_ROWS * 128, CHALF), jnp.float32),
        pltpu.VMEM((PAD_ROWS, 128), jnp.int32),
        pltpu.VMEM_SHARED((ACC_ROWS, CHALF), jnp.float32),
    ],
    compiler_params=pltpu.CompilerParams(use_tc_tiling_on_sc=False),
)(_scatter_body)


def kernel(x, intrinsics, pose):
    cell = _cells(intrinsics, pose)
    cellp = jnp.concatenate(
        [cell.reshape(B * N * D, HW),
         jnp.full((B * N * D, PAD_ROWS * 128 - HW), NCELL, jnp.int32)],
        axis=1).reshape(B * N * D, PAD_ROWS, 128)

    zeros = jnp.zeros((ACC_ROWS, CHALF), jnp.float32)
    acc = _scatter_call(x.reshape(B, N, D, HW, C), cellp, zeros)

    o = acc.reshape(B, 2, NX, NX, CHALF)
    return o.transpose(0, 1, 4, 3, 2).reshape(B, C, NX, NX)

# --- scband reference (transcript-rebuilt; emitter-appended) ---
"""Pipeline reference for scband-frustum-pooling-721554506291 (READ-ONLY COPY).

The authoritative reference and input builder live on the scoring server;
editing this copy changes nothing except your own understanding.
"""

import jax, jax.numpy as jnp
import numpy as np

B, N, D, H, W, C = 2, 6, 41, 16, 44, 64
SIZE = (200, 200); SCALE = 0.5; OFFSETX = 0.0
DBOUND = (4.0, 45.0, 1.0); DOWNSAMPLE = 16
NX0, NX1, NX2 = 200, 200, 1
DS = np.arange(DBOUND[0], DBOUND[1], DBOUND[2], dtype=np.float32)
BEV_INTR = np.array([[1.0 / SCALE, 0.0, SIZE[0] / 2.0 + OFFSETX],
                     [0.0, 1.0 / SCALE, SIZE[1] / 2.0],
                     [0.0, 0.0, 1.0]], dtype=np.float32)
BX2, DX2 = 0.0, 20.0


def _frustum():
    ogfH, ogfW = H * DOWNSAMPLE, W * DOWNSAMPLE
    ones = jnp.ones((D, H, W), jnp.float32)
    ds = jnp.asarray(DS).reshape(D, 1, 1) * ones
    xs = jnp.linspace(0.0, ogfW - 1.0, W, dtype=jnp.float32).reshape(1, 1, W) * ones
    ys = jnp.linspace(0.0, ogfH - 1.0, H, dtype=jnp.float32).reshape(1, H, 1) * ones
    return jnp.stack((xs, ys, ds), -1)


def setup_inputs(seed: int = 0) -> dict:
    key = jax.random.key(seed)
    k1, k2, k3 = jax.random.split(key, 3)
    x = jax.random.normal(k1, (B, N, D, H, W, C), jnp.float32) * 0.1
    ogfH, ogfW = H * DOWNSAMPLE, W * DOWNSAMPLE
    f = 350.0 * (1.0 + 0.1 * jax.random.uniform(k2, (B, N), minval=-1.0, maxval=1.0))
    z0 = jnp.zeros((B, N), jnp.float32)
    o1 = jnp.ones((B, N), jnp.float32)
    row0 = jnp.stack([f, z0, o1 * (ogfW / 2.0)], -1)
    row1 = jnp.stack([z0, f, o1 * (ogfH / 2.0)], -1)
    row2 = jnp.stack([z0, z0, o1], -1)
    intrinsics = jnp.stack([row0, row1, row2], -2)
    yaw = jnp.broadcast_to((2.0 * np.pi / N) * jnp.arange(N, dtype=jnp.float32), (B, N))
    cy, sy = jnp.cos(yaw), jnp.sin(yaw)
    Rz = jnp.stack([jnp.stack([cy, -sy, z0], -1),
                    jnp.stack([sy, cy, z0], -1),
                    jnp.stack([z0, z0, o1], -1)], -2)
    A = jnp.array([[0.0, 0.0, 1.0], [-1.0, 0.0, 0.0], [0.0, -1.0, 0.0]], jnp.float32)
    R = Rz @ A
    t = jnp.stack([z0, z0, o1 * 1.5], -1)
    pose = jnp.zeros((B, N, 4, 4), jnp.float32)
    pose = pose.at[..., :3, :3].set(R).at[..., :3, 3].set(t).at[..., 3, 3].set(1.0)
    return {"x": x, "intrinsics": intrinsics, "pose": pose}


def _forward(x, intrinsics, pose):
    frustum = _frustum()
    rots = pose[..., :3, :3]
    trans = pose[..., :3, 3]
    pts = jnp.concatenate([frustum[..., :2] * frustum[..., 2:3], frustum[..., 2:3]], -1)
    combine = rots @ jnp.linalg.inv(intrinsics)
    geom = jnp.einsum('bnij,dhwj->bndhwi', combine, pts) + trans[:, :, None, None, None, :]
    Nprime = B * N * D * H * W
    xf = x.reshape(Nprime, C)
    gf = jax.lax.stop_gradient(geom.reshape(Nprime, 3))
    gx = gf[:, 0] * BEV_INTR[0, 0] + BEV_INTR[0, 2]
    gy = gf[:, 1] * BEV_INTR[1, 1] + BEV_INTR[1, 2]
    gz = (gf[:, 2] - BX2 + DX2 / 2.0) / DX2
    ix = gx.astype(jnp.int32)
    iy = gy.astype(jnp.int32)
    iz = gz.astype(jnp.int32)
    batch_ix = jnp.repeat(jnp.arange(B, dtype=jnp.int32), Nprime // B)
    kept = (ix >= 0) & (ix < NX0) & (iy >= 0) & (iy < NX1) & (iz >= 0) & (iz < NX2)
    ranks = ix * (NX1 * NX2 * B) + iy * (NX2 * B) + iz * B + batch_ix
    nseg = NX0 * NX1 * NX2 * B
    seg = jnp.where(kept, ranks, nseg)
    summed = jax.ops.segment_sum(xf * kept[:, None].astype(xf.dtype), seg, num_segments=nseg + 1)[:-1]
    final = summed.reshape(NX0, NX1, NX2, B, C).transpose(3, 4, 2, 1, 0)
    out = jnp.concatenate([final[:, :, i] for i in range(NX2)], axis=1)
    return out


def reference(x, intrinsics, pose):
    return _forward(x, intrinsics, pose)

if __name__ == "__main__":
    import jax
    _d = setup_inputs()
    print(jax.jit(kernel)(*tuple(_d.values())))

</pallas_src>

<mosaic_0001>
#map = affine_map<(d0, d1) -> (0, 0, 0, 0, 0)>
#map1 = affine_map<(d0, d1) -> (0, 0, 0)>
#map2 = affine_map<(d0, d1) -> (0, 0)>
#map3 = affine_map<(d0, d1) -> (0, 0, 0, 0)>
module attributes {stable_mosaic.version = 14 : i64} {
  func.func @_scatter_body(%arg0: i32, %arg1: i32, %arg2: memref<2x6x41x704x64xf32, #tpu.memory_space<hbm>>, %arg3: memref<492x6x128xi32, #tpu.memory_space<hbm>>, %arg4: memref<40016x32xf32, #tpu.memory_space<hbm>>, %arg5: memref<2x2x40000x32xf32, #tpu.memory_space<hbm>>, %arg6: memref<768x32xf32, #tpu.memory_space<vmem>>, %arg7: memref<6x128xi32, #tpu.memory_space<vmem>>, %arg8: memref<40016x32xf32, #tpu.memory_space<vmem_shared>>) attributes {dimension_semantics = [#tpu.dimension_semantics<core_parallel>, #tpu.dimension_semantics<subcore_parallel>], iteration_bounds = array<i64: 2, 16>, scalar_prefetch = 0 : i64, scratch_operands = 3 : i64, tpu.core_type = #tpu.core_type<sc_vector_subcore>, window_params = [{transform_indices = #map}, {transform_indices = #map1}, {transform_indices = #map2}, {transform_indices = #map3}]} {
    %mul3A = arith.constant 2501 : i32
    %mul3A_0 = arith.muli %arg1, %mul3A : i32
    "tpu.region"() ({
      %run_scoped3A_45 = tpu.sem_alloc : memref<!tpu.dma_semaphore, #tpu.memory_space<semaphore_mem>>
      %dma_start3A = arith.constant 0 : i32
      %dma_start3A_46 = tpu.memref_slice %arg8[%mul3A_0, %dma_start3A] : memref<40016x32xf32, #tpu.memory_space<vmem_shared>> -> memref<2501x32xf32, #tpu.memory_space<vmem_shared>>
      %dma_start3A_47 = arith.constant 0 : i32
      %dma_start3A_48 = tpu.memref_slice %arg4[%mul3A_0, %dma_start3A_47] : memref<40016x32xf32, #tpu.memory_space<hbm>> -> memref<2501x32xf32, #tpu.memory_space<hbm>>
      tpu.enqueue_dma source(%dma_start3A_48 : memref<2501x32xf32, #tpu.memory_space<hbm>>) target(%dma_start3A_46 : memref<2501x32xf32, #tpu.memory_space<vmem_shared>>) target_semaphore(%run_scoped3A_45 : memref<!tpu.dma_semaphore, #tpu.memory_space<semaphore_mem>>)
      %dma_wait3A = arith.constant 0 : i32
      %dma_wait3A_49 = tpu.memref_slice %arg8[%mul3A_0, %dma_wait3A] : memref<40016x32xf32, #tpu.memory_space<vmem_shared>> -> memref<2501x32xf32, #tpu.memory_space<vmem_shared>>
      %dma_wait3A_50 = arith.constant 0 : i32
      %dma_wait3A_51 = tpu.memref_slice %arg4[%mul3A_0, %dma_wait3A_50] : memref<40016x32xf32, #tpu.memory_space<hbm>> -> memref<2501x32xf32, #tpu.memory_space<hbm>>
      tpu.wait_dma2 semaphore(%run_scoped3A_45 : memref<!tpu.dma_semaphore, #tpu.memory_space<semaphore_mem>>) src(%dma_wait3A_51 : memref<2501x32xf32, #tpu.memory_space<hbm>>) dst(%dma_wait3A_49 : memref<2501x32xf32, #tpu.memory_space<vmem_shared>>)
      tpu.yield
    }) : () -> ()
    %barrier3A = arith.constant 0 : index
    tpu.barrier barrier_id(%barrier3A)
    %sub3A = arith.constant 246 : i32
    %sub3A_1 = arith.subi %sub3A, %arg1 : i32
    %sub3A_2 = arith.constant 16 : i32
    %sub3A_3 = arith.constant 1 : i32
    %sub3A_4 = arith.subi %sub3A_2, %sub3A_3 : i32
    %add3A = arith.addi %sub3A_1, %sub3A_4 : i32
    %div3A = arith.constant 16 : i32
    %div3A_5 = arith.divsi %add3A, %div3A : i32
    %while3A = arith.constant 16 : i32
    %while3A_6 = arith.constant 0 : i32
    %while3A_7 = arith.subi %div3A_5, %while3A_6 : i32
    %while3A_8 = arith.addi %while3A_6, %while3A_7 : i32
    %while3A_9 = arith.constant 1 : i32
    %while3A_10 = arith.divsi %while3A_7, %while3A_9 : i32
    %while3A_11 = arith.muli %while3A_10, %while3A_9 : i32
    %while3A_12 = arith.addi %while3A_6, %while3A_11 : i32
    %while3A_13 = arith.constant 1 : i32
    scf.for %while3A_45 = %while3A_6 to %while3A_12 step %while3A_13  : i32 {
      %mul3A_46 = arith.muli %while3A_45, %while3A : i32
      %add3A_47 = arith.addi %arg1, %mul3A_46 : i32
      %jit3A = arith.constant 41 : i32
      %div3A_48 = arith.divsi %add3A_47, %jit3A : i32
      %sign3A = arith.constant 0 : i32
      %sign3A_49 = arith.cmpi sgt, %add3A_47, %sign3A : i32
      %sign3A_50 = arith.extui %sign3A_49 : i1 to i32
      %sign3A_51 = arith.constant 0 : i32
      %sign3A_52 = arith.cmpi slt, %add3A_47, %sign3A_51 : i32
      %sign3A_53 = arith.extui %sign3A_52 : i1 to i32
      %sign3A_54 = arith.subi %sign3A_50, %sign3A_53 : i32
      %sign3A_55 = arith.constant 0 : i32
      %sign3A_56 = arith.cmpi sgt, %jit3A, %sign3A_55 : i32
      %sign3A_57 = arith.extui %sign3A_56 : i1 to i32
      %sign3A_58 = arith.constant 0 : i32
      %sign3A_59 = arith.cmpi slt, %jit3A, %sign3A_58 : i32
      %sign3A_60 = arith.extui %sign3A_59 : i1 to i32
      %sign3A_61 = arith.subi %sign3A_57, %sign3A_60 : i32
      %ne3A = arith.cmpi ne, %sign3A_54, %sign3A_61 : i32
      %rem3A = arith.remsi %add3A_47, %jit3A : i32
      %ne3A_62 = arith.constant 0 : i32
      %ne3A_63 = arith.cmpi ne, %rem3A, %ne3A_62 : i32
      %and3A = arith.andi %ne3A, %ne3A_63 : i1
      %sub3A_64 = arith.constant 1 : i32
      %sub3A_65 = arith.subi %div3A_48, %sub3A_64 : i32
      %select_n3A = arith.select %and3A, %sub3A_65, %div3A_48 : i32
      %mul3A_66 = arith.constant 41 : i32
      %mul3A_67 = arith.muli %select_n3A, %mul3A_66 : i32
      %sub3A_68 = arith.subi %add3A_47, %mul3A_67 : i32
      %mul3A_69 = arith.constant 246 : i32
      %mul3A_70 = arith.muli %arg0, %mul3A_69 : i32
      %add3A_71 = arith.addi %mul3A_70, %add3A_47 : i32
      "tpu.region"() ({
        %run_scoped3A_78 = tpu.sem_alloc : memref<!tpu.dma_semaphore, #tpu.memory_space<semaphore_mem>>
        %dma_start3A = arith.constant 0 : i32
        %dma_start3A_79 = arith.constant 0 : i32
        %dma_start3A_80 = tpu.memref_slice %arg3[%add3A_71, %dma_start3A, %dma_start3A_79] : memref<492x6x128xi32, #tpu.memory_space<hbm>> -> memref<1x6x128xi32, #tpu.memory_space<hbm>>
        %dma_start3A_81 = tpu.memref_squeeze %dma_start3A_80 : memref<1x6x128xi32, #tpu.memory_space<hbm>> -> memref<6x128xi32, #tpu.memory_space<hbm>>
        %dma_start3A_82 = arith.constant 0 : i32
        %dma_start3A_83 = arith.constant 0 : i32
        %dma_start3A_84 = tpu.memref_slice %arg3[%add3A_71, %dma_start3A_82, %dma_start3A_83] : memref<492x6x128xi32, #tpu.memory_space<hbm>> -> memref<1x6x128xi32, #tpu.memory_space<hbm>>
        %dma_start3A_85 = tpu.memref_squeeze %dma_start3A_84 : memref<1x6x128xi32, #tpu.memory_space<hbm>> -> memref<6x128xi32, #tpu.memory_space<hbm>>
        tpu.enqueue_dma source(%dma_start3A_85 : memref<6x128xi32, #tpu.memory_space<hbm>>) target(%arg7 : memref<6x128xi32, #tpu.memory_space<vmem>>) target_semaphore(%run_scoped3A_78 : memref<!tpu.dma_semaphore, #tpu.memory_space<semaphore_mem>>)
        %dma_wait3A = arith.constant 0 : i32
        %dma_wait3A_86 = arith.constant 0 : i32
        %dma_wait3A_87 = tpu.memref_slice %arg3[%add3A_71, %dma_wait3A, %dma_wait3A_86] : memref<492x6x128xi32, #tpu.memory_space<hbm>> -> memref<1x6x128xi32, #tpu.memory_space<hbm>>
        %dma_wait3A_88 = tpu.memref_squeeze %dma_wait3A_87 : memref<1x6x128xi32, #tpu.memory_space<hbm>> -> memref<6x128xi32, #tpu.memory_space<hbm>>
        %dma_wait3A_89 = arith.constant 0 : i32
        %dma_wait3A_90 = arith.constant 0 : i32
        %dma_wait3A_91 = tpu.memref_slice %arg3[%add3A_71, %dma_wait3A_89, %dma_wait3A_90] : memref<492x6x128xi32, #tpu.memory_space<hbm>> -> memref<1x6x128xi32, #tpu.memory_space<hbm>>
        %dma_wait3A_92 = tpu.memref_squeeze %dma_wait3A_91 : memref<1x6x128xi32, #tpu.memory_space<hbm>> -> memref<6x128xi32, #tpu.memory_space<hbm>>
        tpu.wait_dma2 semaphore(%run_scoped3A_78 : memref<!tpu.dma_semaphore, #tpu.memory_space<semaphore_mem>>) src(%dma_wait3A_92 : memref<6x128xi32, #tpu.memory_space<hbm>>) dst(%arg7 : memref<6x128xi32, #tpu.memory_space<vmem>>)
        tpu.yield
      }) : () -> ()
      "tpu.region"() ({
        %run_scoped3A_78 = tpu.sem_alloc : memref<!tpu.dma_semaphore, #tpu.memory_space<semaphore_mem>>
        %dma_start3A = arith.constant 0 : i32
        %dma_start3A_79 = arith.constant 0 : i32
        %dma_start3A_80 = tpu.memref_slice %arg6[%dma_start3A, %dma_start3A_79] : memref<768x32xf32, #tpu.memory_space<vmem>> -> memref<704x32xf32, #tpu.memory_space<vmem>>
        %dma_start3A_81 = arith.constant 0 : i32
        %dma_start3A_82 = arith.constant 0 : i32
        %dma_start3A_83 = tpu.memref_slice %arg2[%arg0, %select_n3A, %sub3A_68, %dma_start3A_81, %dma_start3A_82] : memref<2x6x41x704x64xf32, #tpu.memory_space<hbm>> -> memref<1x1x1x704x32xf32, #tpu.memory_space<hbm>>
        %dma_start3A_84 = tpu.memref_squeeze %dma_start3A_83 : memref<1x1x1x704x32xf32, #tpu.memory_space<hbm>> -> memref<704x32xf32, #tpu.memory_space<hbm>>
        %dma_start3A_85 = arith.constant 0 : i32
        %dma_start3A_86 = arith.constant 0 : i32
        %dma_start3A_87 = tpu.memref_slice %arg6[%dma_start3A_85, %dma_start3A_86] : memref<768x32xf32, #tpu.memory_space<vmem>> -> memref<704x32xf32, #tpu.memory_space<vmem>>
        %dma_start3A_88 = arith.constant 0 : i32
        %dma_start3A_89 = arith.constant 0 : i32
        %dma_start3A_90 = tpu.memref_slice %arg2[%arg0, %select_n3A, %sub3A_68, %dma_start3A_88, %dma_start3A_89] : memref<2x6x41x704x64xf32, #tpu.memory_space<hbm>> -> memref<1x1x1x704x32xf32, #tpu.memory_space<hbm>>
        %dma_start3A_91 = tpu.memref_squeeze %dma_start3A_90 : memref<1x1x1x704x32xf32, #tpu.memory_space<hbm>> -> memref<704x32xf32, #tpu.memory_space<hbm>>
        tpu.enqueue_dma source(%dma_start3A_91 : memref<704x32xf32, #tpu.memory_space<hbm>>) target(%dma_start3A_87 : memref<704x32xf32, #tpu.memory_space<vmem>>) target_semaphore(%run_scoped3A_78 : memref<!tpu.dma_semaphore, #tpu.memory_space<semaphore_mem>>)
        %dma_wait3A = arith.constant 0 : i32
        %dma_wait3A_92 = arith.constant 0 : i32
        %dma_wait3A_93 = tpu.memref_slice %arg6[%dma_wait3A, %dma_wait3A_92] : memref<768x32xf32, #tpu.memory_space<vmem>> -> memref<704x32xf32, #tpu.memory_space<vmem>>
        %dma_wait3A_94 = arith.constant 0 : i32
        %dma_wait3A_95 = arith.constant 0 : i32
        %dma_wait3A_96 = tpu.memref_slice %arg2[%arg0, %select_n3A, %sub3A_68, %dma_wait3A_94, %dma_wait3A_95] : memref<2x6x41x704x64xf32, #tpu.memory_space<hbm>> -> memref<1x1x1x704x32xf32, #tpu.memory_space<hbm>>
        %dma_wait3A_97 = tpu.memref_squeeze %dma_wait3A_96 : memref<1x1x1x704x32xf32, #tpu.memory_space<hbm>> -> memref<704x32xf32, #tpu.memory_space<hbm>>
        %dma_wait3A_98 = arith.constant 0 : i32
        %dma_wait3A_99 = arith.constant 0 : i32
        %dma_wait3A_100 = tpu.memref_slice %arg6[%dma_wait3A_98, %dma_wait3A_99] : memref<768x32xf32, #tpu.memory_space<vmem>> -> memref<704x32xf32, #tpu.memory_space<vmem>>
        %dma_wait3A_101 = arith.constant 0 : i32
        %dma_wait3A_102 = arith.constant 0 : i32
        %dma_wait3A_103 = tpu.memref_slice %arg2[%arg0, %select_n3A, %sub3A_68, %dma_wait3A_101, %dma_wait3A_102] : memref<2x6x41x704x64xf32, #tpu.memory_space<hbm>> -> memref<1x1x1x704x32xf32, #tpu.memory_space<hbm>>
        %dma_wait3A_104 = tpu.memref_squeeze %dma_wait3A_103 : memref<1x1x1x704x32xf32, #tpu.memory_space<hbm>> -> memref<704x32xf32, #tpu.memory_space<hbm>>
        tpu.wait_dma2 semaphore(%run_scoped3A_78 : memref<!tpu.dma_semaphore, #tpu.memory_space<semaphore_mem>>) src(%dma_wait3A_104 : memref<704x32xf32, #tpu.memory_space<hbm>>) dst(%dma_wait3A_100 : memref<704x32xf32, #tpu.memory_space<vmem>>)
        tpu.yield
      }) : () -> ()
      %run_scoped3A_72 = arith.constant 0 : i32
      "tpu.region"() ({
        %run_scoped3A_78 = tpu.sem_alloc : memref<!tpu.dma_semaphore, #tpu.memory_space<semaphore_mem>>
        %dma_start3A = arith.constant 0 : i32
        %dma_start3A_79 = arith.constant 0 : i32
        %dma_start3A_80 = tpu.memref_slice %arg6[%dma_start3A, %dma_start3A_79] : memref<768x32xf32, #tpu.memory_space<vmem>> -> memref<128x32xf32, #tpu.memory_space<vmem>>
        %dma_start3A_81 = arith.constant 0 : i32
        %dma_start3A_82 = tpu.memref_slice %arg7[%run_scoped3A_72, %dma_start3A_81] : memref<6x128xi32, #tpu.memory_space<vmem>> -> memref<1x128xi32, #tpu.memory_space<vmem>>
        %dma_start3A_83 = tpu.memref_squeeze %dma_start3A_82 : memref<1x128xi32, #tpu.memory_space<vmem>> -> memref<128xi32, #tpu.memory_space<vmem>>
        %dma_start3A_84 = arith.constant 0 : i32
        %dma_start3A_85 = arith.constant 0 : i32
        %dma_start3A_86 = tpu.memref_slice %arg8[%dma_start3A_84, %dma_start3A_85] : memref<40016x32xf32, #tpu.memory_space<vmem_shared>> -> memref<40016x32xf32, #tpu.memory_space<vmem_shared>>
        tpu.enqueue_indirect_dma source(%dma_start3A_80 : memref<128x32xf32, #tpu.memory_space<vmem>>) target(%dma_start3A_86 : memref<40016x32xf32, #tpu.memory_space<vmem_shared>>) offsets(%dma_start3A_83 : memref<128xi32, #tpu.memory_space<vmem>>) semaphore(%run_scoped3A_78 : memref<!tpu.dma_semaphore, #tpu.memory_space<semaphore_mem>>) {add = true}
        %dma_wait3A = arith.constant 0 : i32
        %dma_wait3A_87 = arith.constant 0 : i32
        %dma_wait3A_88 = tpu.memref_slice %arg6[%dma_wait3A, %dma_wait3A_87] : memref<768x32xf32, #tpu.memory_space<vmem>> -> memref<128x32xf32, #tpu.memory_space<vmem>>
        %dma_wait3A_89 = arith.constant 0 : i32
        %dma_wait3A_90 = tpu.memref_slice %arg7[%run_scoped3A_72, %dma_wait3A_89] : memref<6x128xi32, #tpu.memory_space<vmem>> -> memref<1x128xi32, #tpu.memory_space<vmem>>
        %dma_wait3A_91 = tpu.memref_squeeze %dma_wait3A_90 : memref<1x128xi32, #tpu.memory_space<vmem>> -> memref<128xi32, #tpu.memory_space<vmem>>
        %dma_wait3A_92 = arith.constant 0 : i32
        %dma_wait3A_93 = arith.constant 0 : i32
        %dma_wait3A_94 = tpu.memref_slice %arg8[%dma_wait3A_92, %dma_wait3A_93] : memref<40016x32xf32, #tpu.memory_space<vmem_shared>> -> memref<40016x32xf32, #tpu.memory_space<vmem_shared>>
        tpu.wait_indirect_dma semaphore(%run_scoped3A_78 : memref<!tpu.dma_semaphore, #tpu.memory_space<semaphore_mem>>) src(%dma_wait3A_88 : memref<128x32xf32, #tpu.memory_space<vmem>>) dst(%dma_wait3A_94 : memref<40016x32xf32, #tpu.memory_space<vmem_shared>>)
        tpu.yield
      }) : () -> ()
      %run_scoped3A_73 = arith.constant 1 : i32
      "tpu.region"() ({
        %run_scoped3A_78 = tpu.sem_alloc : memref<!tpu.dma_semaphore, #tpu.memory_space<semaphore_mem>>
        %dma_start3A = arith.constant 128 : i32
        %dma_start3A_79 = arith.constant 0 : i32
        %dma_start3A_80 = tpu.memref_slice %arg6[%dma_start3A, %dma_start3A_79] : memref<768x32xf32, #tpu.memory_space<vmem>> -> memref<128x32xf32, #tpu.memory_space<vmem>>
        %dma_start3A_81 = arith.constant 0 : i32
        %dma_start3A_82 = tpu.memref_slice %arg7[%run_scoped3A_73, %dma_start3A_81] : memref<6x128xi32, #tpu.memory_space<vmem>> -> memref<1x128xi32, #tpu.memory_space<vmem>>
        %dma_start3A_83 = tpu.memref_squeeze %dma_start3A_82 : memref<1x128xi32, #tpu.memory_space<vmem>> -> memref<128xi32, #tpu.memory_space<vmem>>
        %dma_start3A_84 = arith.constant 0 : i32
        %dma_start3A_85 = arith.constant 0 : i32
        %dma_start3A_86 = tpu.memref_slice %arg8[%dma_start3A_84, %dma_start3A_85] : memref<40016x32xf32, #tpu.memory_space<vmem_shared>> -> memref<40016x32xf32, #tpu.memory_space<vmem_shared>>
        tpu.enqueue_indirect_dma source(%dma_start3A_80 : memref<128x32xf32, #tpu.memory_space<vmem>>) target(%dma_start3A_86 : memref<40016x32xf32, #tpu.memory_space<vmem_shared>>) offsets(%dma_start3A_83 : memref<128xi32, #tpu.memory_space<vmem>>) semaphore(%run_scoped3A_78 : memref<!tpu.dma_semaphore, #tpu.memory_space<semaphore_mem>>) {add = true}
        %dma_wait3A = arith.constant 128 : i32
        %dma_wait3A_87 = arith.constant 0 : i32
        %dma_wait3A_88 = tpu.memref_slice %arg6[%dma_wait3A, %dma_wait3A_87] : memref<768x32xf32, #tpu.memory_space<vmem>> -> memref<128x32xf32, #tpu.memory_space<vmem>>
        %dma_wait3A_89 = arith.constant 0 : i32
        %dma_wait3A_90 = tpu.memref_slice %arg7[%run_scoped3A_73, %dma_wait3A_89] : memref<6x128xi32, #tpu.memory_space<vmem>> -> memref<1x128xi32, #tpu.memory_space<vmem>>
        %dma_wait3A_91 = tpu.memref_squeeze %dma_wait3A_90 : memref<1x128xi32, #tpu.memory_space<vmem>> -> memref<128xi32, #tpu.memory_space<vmem>>
        %dma_wait3A_92 = arith.constant 0 : i32
        %dma_wait3A_93 = arith.constant 0 : i32
        %dma_wait3A_94 = tpu.memref_slice %arg8[%dma_wait3A_92, %dma_wait3A_93] : memref<40016x32xf32, #tpu.memory_space<vmem_shared>> -> memref<40016x32xf32, #tpu.memory_space<vmem_shared>>
        tpu.wait_indirect_dma semaphore(%run_scoped3A_78 : memref<!tpu.dma_semaphore, #tpu.memory_space<semaphore_mem>>) src(%dma_wait3A_88 : memref<128x32xf32, #tpu.memory_space<vmem>>) dst(%dma_wait3A_94 : memref<40016x32xf32, #tpu.memory_space<vmem_shared>>)
        tpu.yield
      }) : () -> ()
      %run_scoped3A_74 = arith.constant 2 : i32
      "tpu.region"() ({
        %run_scoped3A_78 = tpu.sem_alloc : memref<!tpu.dma_semaphore, #tpu.memory_space<semaphore_mem>>
        %dma_start3A = arith.constant 256 : i32
        %dma_start3A_79 = arith.constant 0 : i32
        %dma_start3A_80 = tpu.memref_slice %arg6[%dma_start3A, %dma_start3A_79] : memref<768x32xf32, #tpu.memory_space<vmem>> -> memref<128x32xf32, #tpu.memory_space<vmem>>
        %dma_start3A_81 = arith.constant 0 : i32
        %dma_start3A_82 = tpu.memref_slice %arg7[%run_scoped3A_74, %dma_start3A_81] : memref<6x128xi32, #tpu.memory_space<vmem>> -> memref<1x128xi32, #tpu.memory_space<vmem>>
        %dma_start3A_83 = tpu.memref_squeeze %dma_start3A_82 : memref<1x128xi32, #tpu.memory_space<vmem>> -> memref<128xi32, #tpu.memory_space<vmem>>
        %dma_start3A_84 = arith.constant 0 : i32
        %dma_start3A_85 = arith.constant 0 : i32
        %dma_start3A_86 = tpu.memref_slice %arg8[%dma_start3A_84, %dma_start3A_85] : memref<40016x32xf32, #tpu.memory_space<vmem_shared>> -> memref<40016x32xf32, #tpu.memory_space<vmem_shared>>
        tpu.enqueue_indirect_dma source(%dma_start3A_80 : memref<128x32xf32, #tpu.memory_space<vmem>>) target(%dma_start3A_86 : memref<40016x32xf32, #tpu.memory_space<vmem_shared>>) offsets(%dma_start3A_83 : memref<128xi32, #tpu.memory_space<vmem>>) semaphore(%run_scoped3A_78 : memref<!tpu.dma_semaphore, #tpu.memory_space<semaphore_mem>>) {add = true}
        %dma_wait3A = arith.constant 256 : i32
        %dma_wait3A_87 = arith.constant 0 : i32
        %dma_wait3A_88 = tpu.memref_slice %arg6[%dma_wait3A, %dma_wait3A_87] : memref<768x32xf32, #tpu.memory_space<vmem>> -> memref<128x32xf32, #tpu.memory_space<vmem>>
        %dma_wait3A_89 = arith.constant 0 : i32
        %dma_wait3A_90 = tpu.memref_slice %arg7[%run_scoped3A_74, %dma_wait3A_89] : memref<6x128xi32, #tpu.memory_space<vmem>> -> memref<1x128xi32, #tpu.memory_space<vmem>>
        %dma_wait3A_91 = tpu.memref_squeeze %dma_wait3A_90 : memref<1x128xi32, #tpu.memory_space<vmem>> -> memref<128xi32, #tpu.memory_space<vmem>>
        %dma_wait3A_92 = arith.constant 0 : i32
        %dma_wait3A_93 = arith.constant 0 : i32
        %dma_wait3A_94 = tpu.memref_slice %arg8[%dma_wait3A_92, %dma_wait3A_93] : memref<40016x32xf32, #tpu.memory_space<vmem_shared>> -> memref<40016x32xf32, #tpu.memory_space<vmem_shared>>
        tpu.wait_indirect_dma semaphore(%run_scoped3A_78 : memref<!tpu.dma_semaphore, #tpu.memory_space<semaphore_mem>>) src(%dma_wait3A_88 : memref<128x32xf32, #tpu.memory_space<vmem>>) dst(%dma_wait3A_94 : memref<40016x32xf32, #tpu.memory_space<vmem_shared>>)
        tpu.yield
      }) : () -> ()
      %run_scoped3A_75 = arith.constant 3 : i32
      "tpu.region"() ({
        %run_scoped3A_78 = tpu.sem_alloc : memref<!tpu.dma_semaphore, #tpu.memory_space<semaphore_mem>>
        %dma_start3A = arith.constant 384 : i32
        %dma_start3A_79 = arith.constant 0 : i32
        %dma_start3A_80 = tpu.memref_slice %arg6[%dma_start3A, %dma_start3A_79] : memref<768x32xf32, #tpu.memory_space<vmem>> -> memref<128x32xf32, #tpu.memory_space<vmem>>
        %dma_start3A_81 = arith.constant 0 : i32
        %dma_start3A_82 = tpu.memref_slice %arg7[%run_scoped3A_75, %dma_start3A_81] : memref<6x128xi32, #tpu.memory_space<vmem>> -> memref<1x128xi32, #tpu.memory_space<vmem>>
        %dma_start3A_83 = tpu.memref_squeeze %dma_start3A_82 : memref<1x128xi32, #tpu.memory_space<vmem>> -> memref<128xi32, #tpu.memory_space<vmem>>
        %dma_start3A_84 = arith.constant 0 : i32
        %dma_start3A_85 = arith.constant 0 : i32
        %dma_start3A_86 = tpu.memref_slice %arg8[%dma_start3A_84, %dma_start3A_85] : memref<40016x32xf32, #tpu.memory_space<vmem_shared>> -> memref<40016x32xf32, #tpu.memory_space<vmem_shared>>
        tpu.enqueue_indirect_dma source(%dma_start3A_80 : memref<128x32xf32, #tpu.memory_space<vmem>>) target(%dma_start3A_86 : memref<40016x32xf32, #tpu.memory_space<vmem_shared>>) offsets(%dma_start3A_83 : memref<128xi32, #tpu.memory_space<vmem>>) semaphore(%run_scoped3A_78 : memref<!tpu.dma_semaphore, #tpu.memory_space<semaphore_mem>>) {add = true}
        %dma_wait3A = arith.constant 384 : i32
        %dma_wait3A_87 = arith.constant 0 : i32
        %dma_wait3A_88 = tpu.memref_slice %arg6[%dma_wait3A, %dma_wait3A_87] : memref<768x32xf32, #tpu.memory_space<vmem>> -> memref<128x32xf32, #tpu.memory_space<vmem>>
        %dma_wait3A_89 = arith.constant 0 : i32
        %dma_wait3A_90 = tpu.memref_slice %arg7[%run_scoped3A_75, %dma_wait3A_89] : memref<6x128xi32, #tpu.memory_space<vmem>> -> memref<1x128xi32, #tpu.memory_space<vmem>>
        %dma_wait3A_91 = tpu.memref_squeeze %dma_wait3A_90 : memref<1x128xi32, #tpu.memory_space<vmem>> -> memref<128xi32, #tpu.memory_space<vmem>>
        %dma_wait3A_92 = arith.constant 0 : i32
        %dma_wait3A_93 = arith.constant 0 : i32
        %dma_wait3A_94 = tpu.memref_slice %arg8[%dma_wait3A_92, %dma_wait3A_93] : memref<40016x32xf32, #tpu.memory_space<vmem_shared>> -> memref<40016x32xf32, #tpu.memory_space<vmem_shared>>
        tpu.wait_indirect_dma semaphore(%run_scoped3A_78 : memref<!tpu.dma_semaphore, #tpu.memory_space<semaphore_mem>>) src(%dma_wait3A_88 : memref<128x32xf32, #tpu.memory_space<vmem>>) dst(%dma_wait3A_94 : memref<40016x32xf32, #tpu.memory_space<vmem_shared>>)
        tpu.yield
      }) : () -> ()
      %run_scoped3A_76 = arith.constant 4 : i32
      "tpu.region"() ({
        %run_scoped3A_78 = tpu.sem_alloc : memref<!tpu.dma_semaphore, #tpu.memory_space<semaphore_mem>>
        %dma_start3A = arith.constant 512 : i32
        %dma_start3A_79 = arith.constant 0 : i32
        %dma_start3A_80 = tpu.memref_slice %arg6[%dma_start3A, %dma_start3A_79] : memref<768x32xf32, #tpu.memory_space<vmem>> -> memref<128x32xf32, #tpu.memory_space<vmem>>
        %dma_start3A_81 = arith.constant 0 : i32
        %dma_start3A_82 = tpu.memref_slice %arg7[%run_scoped3A_76, %dma_start3A_81] : memref<6x128xi32, #tpu.memory_space<vmem>> -> memref<1x128xi32, #tpu.memory_space<vmem>>
        %dma_start3A_83 = tpu.memref_squeeze %dma_start3A_82 : memref<1x128xi32, #tpu.memory_space<vmem>> -> memref<128xi32, #tpu.memory_space<vmem>>
        %dma_start3A_84 = arith.constant 0 : i32
        %dma_start3A_85 = arith.constant 0 : i32
        %dma_start3A_86 = tpu.memref_slice %arg8[%dma_start3A_84, %dma_start3A_85] : memref<40016x32xf32, #tpu.memory_space<vmem_shared>> -> memref<40016x32xf32, #tpu.memory_space<vmem_shared>>
        tpu.enqueue_indirect_dma source(%dma_start3A_80 : memref<128x32xf32, #tpu.memory_space<vmem>>) target(%dma_start3A_86 : memref<40016x32xf32, #tpu.memory_space<vmem_shared>>) offsets(%dma_start3A_83 : memref<128xi32, #tpu.memory_space<vmem>>) semaphore(%run_scoped3A_78 : memref<!tpu.dma_semaphore, #tpu.memory_space<semaphore_mem>>) {add = true}
        %dma_wait3A = arith.constant 512 : i32
        %dma_wait3A_87 = arith.constant 0 : i32
        %dma_wait3A_88 = tpu.memref_slice %arg6[%dma_wait3A, %dma_wait3A_87] : memref<768x32xf32, #tpu.memory_space<vmem>> -> memref<128x32xf32, #tpu.memory_space<vmem>>
        %dma_wait3A_89 = arith.constant 0 : i32
        %dma_wait3A_90 = tpu.memref_slice %arg7[%run_scoped3A_76, %dma_wait3A_89] : memref<6x128xi32, #tpu.memory_space<vmem>> -> memref<1x128xi32, #tpu.memory_space<vmem>>
        %dma_wait3A_91 = tpu.memref_squeeze %dma_wait3A_90 : memref<1x128xi32, #tpu.memory_space<vmem>> -> memref<128xi32, #tpu.memory_space<vmem>>
        %dma_wait3A_92 = arith.constant 0 : i32
        %dma_wait3A_93 = arith.constant 0 : i32
        %dma_wait3A_94 = tpu.memref_slice %arg8[%dma_wait3A_92, %dma_wait3A_93] : memref<40016x32xf32, #tpu.memory_space<vmem_shared>> -> memref<40016x32xf32, #tpu.memory_space<vmem_shared>>
        tpu.wait_indirect_dma semaphore(%run_scoped3A_78 : memref<!tpu.dma_semaphore, #tpu.memory_space<semaphore_mem>>) src(%dma_wait3A_88 : memref<128x32xf32, #tpu.memory_space<vmem>>) dst(%dma_wait3A_94 : memref<40016x32xf32, #tpu.memory_space<vmem_shared>>)
        tpu.yield
      }) : () -> ()
      %run_scoped3A_77 = arith.constant 5 : i32
      "tpu.region"() ({
        %run_scoped3A_78 = tpu.sem_alloc : memref<!tpu.dma_semaphore, #tpu.memory_space<semaphore_mem>>
        %dma_start3A = arith.constant 640 : i32
        %dma_start3A_79 = arith.constant 0 : i32
        %dma_start3A_80 = tpu.memref_slice %arg6[%dma_start3A, %dma_start3A_79] : memref<768x32xf32, #tpu.memory_space<vmem>> -> memref<128x32xf32, #tpu.memory_space<vmem>>
        %dma_start3A_81 = arith.constant 0 : i32
        %dma_start3A_82 = tpu.memref_slice %arg7[%run_scoped3A_77, %dma_start3A_81] : memref<6x128xi32, #tpu.memory_space<vmem>> -> memref<1x128xi32, #tpu.memory_space<vmem>>
        %dma_start3A_83 = tpu.memref_squeeze %dma_start3A_82 : memref<1x128xi32, #tpu.memory_space<vmem>> -> memref<128xi32, #tpu.memory_space<vmem>>
        %dma_start3A_84 = arith.constant 0 : i32
        %dma_start3A_85 = arith.constant 0 : i32
        %dma_start3A_86 = tpu.memref_slice %arg8[%dma_start3A_84, %dma_start3A_85] : memref<40016x32xf32, #tpu.memory_space<vmem_shared>> -> memref<40016x32xf32, #tpu.memory_space<vmem_shared>>
        tpu.enqueue_indirect_dma source(%dma_start3A_80 : memref<128x32xf32, #tpu.memory_space<vmem>>) target(%dma_start3A_86 : memref<40016x32xf32, #tpu.memory_space<vmem_shared>>) offsets(%dma_start3A_83 : memref<128xi32, #tpu.memory_space<vmem>>) semaphore(%run_scoped3A_78 : memref<!tpu.dma_semaphore, #tpu.memory_space<semaphore_mem>>) {add = true}
        %dma_wait3A = arith.constant 640 : i32
        %dma_wait3A_87 = arith.constant 0 : i32
        %dma_wait3A_88 = tpu.memref_slice %arg6[%dma_wait3A, %dma_wait3A_87] : memref<768x32xf32, #tpu.memory_space<vmem>> -> memref<128x32xf32, #tpu.memory_space<vmem>>
        %dma_wait3A_89 = arith.constant 0 : i32
        %dma_wait3A_90 = tpu.memref_slice %arg7[%run_scoped3A_77, %dma_wait3A_89] : memref<6x128xi32, #tpu.memory_space<vmem>> -> memref<1x128xi32, #tpu.memory_space<vmem>>
        %dma_wait3A_91 = tpu.memref_squeeze %dma_wait3A_90 : memref<1x128xi32, #tpu.memory_space<vmem>> -> memref<128xi32, #tpu.memory_space<vmem>>
        %dma_wait3A_92 = arith.constant 0 : i32
        %dma_wait3A_93 = arith.constant 0 : i32
        %dma_wait3A_94 = tpu.memref_slice %arg8[%dma_wait3A_92, %dma_wait3A_93] : memref<40016x32xf32, #tpu.memory_space<vmem_shared>> -> memref<40016x32xf32, #tpu.memory_space<vmem_shared>>
        tpu.wait_indirect_dma semaphore(%run_scoped3A_78 : memref<!tpu.dma_semaphore, #tpu.memory_space<semaphore_mem>>) src(%dma_wait3A_88 : memref<128x32xf32, #tpu.memory_space<vmem>>) dst(%dma_wait3A_94 : memref<40016x32xf32, #tpu.memory_space<vmem_shared>>)
        tpu.yield
      }) : () -> ()
    }
    %while3A_14 = arith.constant 1 : i32
    scf.for %while3A_45 = %while3A_12 to %while3A_8 step %while3A_14  : i32 {
      %mul3A_46 = arith.muli %while3A_45, %while3A : i32
      %add3A_47 = arith.addi %arg1, %mul3A_46 : i32
      %jit3A = arith.constant 41 : i32
      %div3A_48 = arith.divsi %add3A_47, %jit3A : i32
      %sign3A = arith.constant 0 : i32
      %sign3A_49 = arith.cmpi sgt, %add3A_47, %sign3A : i32
      %sign3A_50 = arith.extui %sign3A_49 : i1 to i32
      %sign3A_51 = arith.constant 0 : i32
      %sign3A_52 = arith.cmpi slt, %add3A_47, %sign3A_51 : i32
      %sign3A_53 = arith.extui %sign3A_52 : i1 to i32
      %sign3A_54 = arith.subi %sign3A_50, %sign3A_53 : i32
      %sign3A_55 = arith.constant 0 : i32
      %sign3A_56 = arith.cmpi sgt, %jit3A, %sign3A_55 : i32
      %sign3A_57 = arith.extui %sign3A_56 : i1 to i32
      %sign3A_58 = arith.constant 0 : i32
      %sign3A_59 = arith.cmpi slt, %jit3A, %sign3A_58 : i32
      %sign3A_60 = arith.extui %sign3A_59 : i1 to i32
      %sign3A_61 = arith.subi %sign3A_57, %sign3A_60 : i32
      %ne3A = arith.cmpi ne, %sign3A_54, %sign3A_61 : i32
      %rem3A = arith.remsi %add3A_47, %jit3A : i32
      %ne3A_62 = arith.constant 0 : i32
      %ne3A_63 = arith.cmpi ne, %rem3A, %ne3A_62 : i32
      %and3A = arith.andi %ne3A, %ne3A_63 : i1
      %sub3A_64 = arith.constant 1 : i32
      %sub3A_65 = arith.subi %div3A_48, %sub3A_64 : i32
      %select_n3A = arith.select %and3A, %sub3A_65, %div3A_48 : i32
      %mul3A_66 = arith.constant 41 : i32
      %mul3A_67 = arith.muli %select_n3A, %mul3A_66 : i32
      %sub3A_68 = arith.subi %add3A_47, %mul3A_67 : i32
      %mul3A_69 = arith.constant 246 : i32
      %mul3A_70 = arith.muli %arg0, %mul3A_69 : i32
      %add3A_71 = arith.addi %mul3A_70, %add3A_47 : i32
      "tpu.region"() ({
        %run_scoped3A_78 = tpu.sem_alloc : memref<!tpu.dma_semaphore, #tpu.memory_space<semaphore_mem>>
        %dma_start3A = arith.constant 0 : i32
        %dma_start3A_79 = arith.constant 0 : i32
        %dma_start3A_80 = tpu.memref_slice %arg3[%add3A_71, %dma_start3A, %dma_start3A_79] : memref<492x6x128xi32, #tpu.memory_space<hbm>> -> memref<1x6x128xi32, #tpu.memory_space<hbm>>
        %dma_start3A_81 = tpu.memref_squeeze %dma_start3A_80 : memref<1x6x128xi32, #tpu.memory_space<hbm>> -> memref<6x128xi32, #tpu.memory_space<hbm>>
        %dma_start3A_82 = arith.constant 0 : i32
        %dma_start3A_83 = arith.constant 0 : i32
        %dma_start3A_84 = tpu.memref_slice %arg3[%add3A_71, %dma_start3A_82, %dma_start3A_83] : memref<492x6x128xi32, #tpu.memory_space<hbm>> -> memref<1x6x128xi32, #tpu.memory_space<hbm>>
        %dma_start3A_85 = tpu.memref_squeeze %dma_start3A_84 : memref<1x6x128xi32, #tpu.memory_space<hbm>> -> memref<6x128xi32, #tpu.memory_space<hbm>>
        tpu.enqueue_dma source(%dma_start3A_85 : memref<6x128xi32, #tpu.memory_space<hbm>>) target(%arg7 : memref<6x128xi32, #tpu.memory_space<vmem>>) target_semaphore(%run_scoped3A_78 : memref<!tpu.dma_semaphore, #tpu.memory_space<semaphore_mem>>)
        %dma_wait3A = arith.constant 0 : i32
        %dma_wait3A_86 = arith.constant 0 : i32
        %dma_wait3A_87 = tpu.memref_slice %arg3[%add3A_71, %dma_wait3A, %dma_wait3A_86] : memref<492x6x128xi32, #tpu.memory_space<hbm>> -> memref<1x6x128xi32, #tpu.memory_space<hbm>>
        %dma_wait3A_88 = tpu.memref_squeeze %dma_wait3A_87 : memref<1x6x128xi32, #tpu.memory_space<hbm>> -> memref<6x128xi32, #tpu.memory_space<hbm>>
        %dma_wait3A_89 = arith.constant 0 : i32
        %dma_wait3A_90 = arith.constant 0 : i32
        %dma_wait3A_91 = tpu.memref_slice %arg3[%add3A_71, %dma_wait3A_89, %dma_wait3A_90] : memref<492x6x128xi32, #tpu.memory_space<hbm>> -> memref<1x6x128xi32, #tpu.memory_space<hbm>>
        %dma_wait3A_92 = tpu.memref_squeeze %dma_wait3A_91 : memref<1x6x128xi32, #tpu.memory_space<hbm>> -> memref<6x128xi32, #tpu.memory_space<hbm>>
        tpu.wait_dma2 semaphore(%run_scoped3A_78 : memref<!tpu.dma_semaphore, #tpu.memory_space<semaphore_mem>>) src(%dma_wait3A_92 : memref<6x128xi32, #tpu.memory_space<hbm>>) dst(%arg7 : memref<6x128xi32, #tpu.memory_space<vmem>>)
        tpu.yield
      }) : () -> ()
      "tpu.region"() ({
        %run_scoped3A_78 = tpu.sem_alloc : memref<!tpu.dma_semaphore, #tpu.memory_space<semaphore_mem>>
        %dma_start3A = arith.constant 0 : i32
        %dma_start3A_79 = arith.constant 0 : i32
        %dma_start3A_80 = tpu.memref_slice %arg6[%dma_start3A, %dma_start3A_79] : memref<768x32xf32, #tpu.memory_space<vmem>> -> memref<704x32xf32, #tpu.memory_space<vmem>>
        %dma_start3A_81 = arith.constant 0 : i32
        %dma_start3A_82 = arith.constant 0 : i32
        %dma_start3A_83 = tpu.memref_slice %arg2[%arg0, %select_n3A, %sub3A_68, %dma_start3A_81, %dma_start3A_82] : memref<2x6x41x704x64xf32, #tpu.memory_space<hbm>> -> memref<1x1x1x704x32xf32, #tpu.memory_space<hbm>>
        %dma_start3A_84 = tpu.memref_squeeze %dma_start3A_83 : memref<1x1x1x704x32xf32, #tpu.memory_space<hbm>> -> memref<704x32xf32, #tpu.memory_space<hbm>>
        %dma_start3A_85 = arith.constant 0 : i32
        %dma_start3A_86 = arith.constant 0 : i32
        %dma_start3A_87 = tpu.memref_slice %arg6[%dma_start3A_85, %dma_start3A_86] : memref<768x32xf32, #tpu.memory_space<vmem>> -> memref<704x32xf32, #tpu.memory_space<vmem>>
        %dma_start3A_88 = arith.constant 0 : i32
        %dma_start3A_89 = arith.constant 0 : i32
        %dma_start3A_90 = tpu.memref_slice %arg2[%arg0, %select_n3A, %sub3A_68, %dma_start3A_88, %dma_start3A_89] : memref<2x6x41x704x64xf32, #tpu.memory_space<hbm>> -> memref<1x1x1x704x32xf32, #tpu.memory_space<hbm>>
        %dma_start3A_91 = tpu.memref_squeeze %dma_start3A_90 : memref<1x1x1x704x32xf32, #tpu.memory_space<hbm>> -> memref<704x32xf32, #tpu.memory_space<hbm>>
        tpu.enqueue_dma source(%dma_start3A_91 : memref<704x32xf32, #tpu.memory_space<hbm>>) target(%dma_start3A_87 : memref<704x32xf32, #tpu.memory_space<vmem>>) target_semaphore(%run_scoped3A_78 : memref<!tpu.dma_semaphore, #tpu.memory_space<semaphore_mem>>)
        %dma_wait3A = arith.constant 0 : i32
        %dma_wait3A_92 = arith.constant 0 : i32
        %dma_wait3A_93 = tpu.memref_slice %arg6[%dma_wait3A, %dma_wait3A_92] : memref<768x32xf32, #tpu.memory_space<vmem>> -> memref<704x32xf32, #tpu.memory_space<vmem>>
        %dma_wait3A_94 = arith.constant 0 : i32
        %dma_wait3A_95 = arith.constant 0 : i32
        %dma_wait3A_96 = tpu.memref_slice %arg2[%arg0, %select_n3A, %sub3A_68, %dma_wait3A_94, %dma_wait3A_95] : memref<2x6x41x704x64xf32, #tpu.memory_space<hbm>> -> memref<1x1x1x704x32xf32, #tpu.memory_space<hbm>>
        %dma_wait3A_97 = tpu.memref_squeeze %dma_wait3A_96 : memref<1x1x1x704x32xf32, #tpu.memory_space<hbm>> -> memref<704x32xf32, #tpu.memory_space<hbm>>
        %dma_wait3A_98 = arith.constant 0 : i32
        %dma_wait3A_99 = arith.constant 0 : i32
        %dma_wait3A_100 = tpu.memref_slice %arg6[%dma_wait3A_98, %dma_wait3A_99] : memref<768x32xf32, #tpu.memory_space<vmem>> -> memref<704x32xf32, #tpu.memory_space<vmem>>
        %dma_wait3A_101 = arith.constant 0 : i32
        %dma_wait3A_102 = arith.constant 0 : i32
        %dma_wait3A_103 = tpu.memref_slice %arg2[%arg0, %select_n3A, %sub3A_68, %dma_wait3A_101, %dma_wait3A_102] : memref<2x6x41x704x64xf32, #tpu.memory_space<hbm>> -> memref<1x1x1x704x32xf32, #tpu.memory_space<hbm>>
        %dma_wait3A_104 = tpu.memref_squeeze %dma_wait3A_103 : memref<1x1x1x704x32xf32, #tpu.memory_space<hbm>> -> memref<704x32xf32, #tpu.memory_space<hbm>>
        tpu.wait_dma2 semaphore(%run_scoped3A_78 : memref<!tpu.dma_semaphore, #tpu.memory_space<semaphore_mem>>) src(%dma_wait3A_104 : memref<704x32xf32, #tpu.memory_space<hbm>>) dst(%dma_wait3A_100 : memref<704x32xf32, #tpu.memory_space<vmem>>)
        tpu.yield
      }) : () -> ()
      %run_scoped3A_72 = arith.constant 0 : i32
      "tpu.region"() ({
        %run_scoped3A_78 = tpu.sem_alloc : memref<!tpu.dma_semaphore, #tpu.memory_space<semaphore_mem>>
        %dma_start3A = arith.constant 0 : i32
        %dma_start3A_79 = arith.constant 0 : i32
        %dma_start3A_80 = tpu.memref_slice %arg6[%dma_start3A, %dma_start3A_79] : memref<768x32xf32, #tpu.memory_space<vmem>> -> memref<128x32xf32, #tpu.memory_space<vmem>>
        %dma_start3A_81 = arith.constant 0 : i32
        %dma_start3A_82 = tpu.memref_slice %arg7[%run_scoped3A_72, %dma_start3A_81] : memref<6x128xi32, #tpu.memory_space<vmem>> -> memref<1x128xi32, #tpu.memory_space<vmem>>
        %dma_start3A_83 = tpu.memref_squeeze %dma_start3A_82 : memref<1x128xi32, #tpu.memory_space<vmem>> -> memref<128xi32, #tpu.memory_space<vmem>>
        %dma_start3A_84 = arith.constant 0 : i32
        %dma_start3A_85 = arith.constant 0 : i32
        %dma_start3A_86 = tpu.memref_slice %arg8[%dma_start3A_84, %dma_start3A_85] : memref<40016x32xf32, #tpu.memory_space<vmem_shared>> -> memref<40016x32xf32, #tpu.memory_space<vmem_shared>>
        tpu.enqueue_indirect_dma source(%dma_start3A_80 : memref<128x32xf32, #tpu.memory_space<vmem>>) target(%dma_start3A_86 : memref<40016x32xf32, #tpu.memory_space<vmem_shared>>) offsets(%dma_start3A_83 : memref<128xi32, #tpu.memory_space<vmem>>) semaphore(%run_scoped3A_78 : memref<!tpu.dma_semaphore, #tpu.memory_space<semaphore_mem>>) {add = true}
        %dma_wait3A = arith.constant 0 : i32
        %dma_wait3A_87 = arith.constant 0 : i32
        %dma_wait3A_88 = tpu.memref_slice %arg6[%dma_wait3A, %dma_wait3A_87] : memref<768x32xf32, #tpu.memory_space<vmem>> -> memref<128x32xf32, #tpu.memory_space<vmem>>
        %dma_wait3A_89 = arith.constant 0 : i32
        %dma_wait3A_90 = tpu.memref_slice %arg7[%run_scoped3A_72, %dma_wait3A_89] : memref<6x128xi32, #tpu.memory_space<vmem>> -> memref<1x128xi32, #tpu.memory_space<vmem>>
        %dma_wait3A_91 = tpu.memref_squeeze %dma_wait3A_90 : memref<1x128xi32, #tpu.memory_space<vmem>> -> memref<128xi32, #tpu.memory_space<vmem>>
        %dma_wait3A_92 = arith.constant 0 : i32
        %dma_wait3A_93 = arith.constant 0 : i32
        %dma_wait3A_94 = tpu.memref_slice %arg8[%dma_wait3A_92, %dma_wait3A_93] : memref<40016x32xf32, #tpu.memory_space<vmem_shared>> -> memref<40016x32xf32, #tpu.memory_space<vmem_shared>>
        tpu.wait_indirect_dma semaphore(%run_scoped3A_78 : memref<!tpu.dma_semaphore, #tpu.memory_space<semaphore_mem>>) src(%dma_wait3A_88 : memref<128x32xf32, #tpu.memory_space<vmem>>) dst(%dma_wait3A_94 : memref<40016x32xf32, #tpu.memory_space<vmem_shared>>)
        tpu.yield
      }) : () -> ()
      %run_scoped3A_73 = arith.constant 1 : i32
      "tpu.region"() ({
        %run_scoped3A_78 = tpu.sem_alloc : memref<!tpu.dma_semaphore, #tpu.memory_space<semaphore_mem>>
        %dma_start3A = arith.constant 128 : i32
        %dma_start3A_79 = arith.constant 0 : i32
        %dma_start3A_80 = tpu.memref_slice %arg6[%dma_start3A, %dma_start3A_79] : memref<768x32xf32, #tpu.memory_space<vmem>> -> memref<128x32xf32, #tpu.memory_space<vmem>>
        %dma_start3A_81 = arith.constant 0 : i32
        %dma_start3A_82 = tpu.memref_slice %arg7[%run_scoped3A_73, %dma_start3A_81] : memref<6x128xi32, #tpu.memory_space<vmem>> -> memref<1x128xi32, #tpu.memory_space<vmem>>
        %dma_start3A_83 = tpu.memref_squeeze %dma_start3A_82 : memref<1x128xi32, #tpu.memory_space<vmem>> -> memref<128xi32, #tpu.memory_space<vmem>>
        %dma_start3A_84 = arith.constant 0 : i32
        %dma_start3A_85 = arith.constant 0 : i32
        %dma_start3A_86 = tpu.memref_slice %arg8[%dma_start3A_84, %dma_start3A_85] : memref<40016x32xf32, #tpu.memory_space<vmem_shared>> -> memref<40016x32xf32, #tpu.memory_space<vmem_shared>>
        tpu.enqueue_indirect_dma source(%dma_start3A_80 : memref<128x32xf32, #tpu.memory_space<vmem>>) target(%dma_start3A_86 : memref<40016x32xf32, #tpu.memory_space<vmem_shared>>) offsets(%dma_start3A_83 : memref<128xi32, #tpu.memory_space<vmem>>) semaphore(%run_scoped3A_78 : memref<!tpu.dma_semaphore, #tpu.memory_space<semaphore_mem>>) {add = true}
        %dma_wait3A = arith.constant 128 : i32
        %dma_wait3A_87 = arith.constant 0 : i32
        %dma_wait3A_88 = tpu.memref_slice %arg6[%dma_wait3A, %dma_wait3A_87] : memref<768x32xf32, #tpu.memory_space<vmem>> -> memref<128x32xf32, #tpu.memory_space<vmem>>
        %dma_wait3A_89 = arith.constant 0 : i32
        %dma_wait3A_90 = tpu.memref_slice %arg7[%run_scoped3A_73, %dma_wait3A_89] : memref<6x128xi32, #tpu.memory_space<vmem>> -> memref<1x128xi32, #tpu.memory_space<vmem>>
        %dma_wait3A_91 = tpu.memref_squeeze %dma_wait3A_90 : memref<1x128xi32, #tpu.memory_space<vmem>> -> memref<128xi32, #tpu.memory_space<vmem>>
        %dma_wait3A_92 = arith.constant 0 : i32
        %dma_wait3A_93 = arith.constant 0 : i32
        %dma_wait3A_94 = tpu.memref_slice %arg8[%dma_wait3A_92, %dma_wait3A_93] : memref<40016x32xf32, #tpu.memory_space<vmem_shared>> -> memref<40016x32xf32, #tpu.memory_space<vmem_shared>>
        tpu.wait_indirect_dma semaphore(%run_scoped3A_78 : memref<!tpu.dma_semaphore, #tpu.memory_space<semaphore_mem>>) src(%dma_wait3A_88 : memref<128x32xf32, #tpu.memory_space<vmem>>) dst(%dma_wait3A_94 : memref<40016x32xf32, #tpu.memory_space<vmem_shared>>)
        tpu.yield
      }) : () -> ()
      %run_scoped3A_74 = arith.constant 2 : i32
      "tpu.region"() ({
        %run_scoped3A_78 = tpu.sem_alloc : memref<!tpu.dma_semaphore, #tpu.memory_space<semaphore_mem>>
        %dma_start3A = arith.constant 256 : i32
        %dma_start3A_79 = arith.constant 0 : i32
        %dma_start3A_80 = tpu.memref_slice %arg6[%dma_start3A, %dma_start3A_79] : memref<768x32xf32, #tpu.memory_space<vmem>> -> memref<128x32xf32, #tpu.memory_space<vmem>>
        %dma_start3A_81 = arith.constant 0 : i32
        %dma_start3A_82 = tpu.memref_slice %arg7[%run_scoped3A_74, %dma_start3A_81] : memref<6x128xi32, #tpu.memory_space<vmem>> -> memref<1x128xi32, #tpu.memory_space<vmem>>
        %dma_start3A_83 = tpu.memref_squeeze %dma_start3A_82 : memref<1x128xi32, #tpu.memory_space<vmem>> -> memref<128xi32, #tpu.memory_space<vmem>>
        %dma_start3A_84 = arith.constant 0 : i32
        %dma_start3A_85 = arith.constant 0 : i32
        %dma_start3A_86 = tpu.memref_slice %arg8[%dma_start3A_84, %dma_start3A_85] : memref<40016x32xf32, #tpu.memory_space<vmem_shared>> -> memref<40016x32xf32, #tpu.memory_space<vmem_shared>>
        tpu.enqueue_indirect_dma source(%dma_start3A_80 : memref<128x32xf32, #tpu.memory_space<vmem>>) target(%dma_start3A_86 : memref<40016x32xf32, #tpu.memory_space<vmem_shared>>) offsets(%dma_start3A_83 : memref<128xi32, #tpu.memory_space<vmem>>) semaphore(%run_scoped3A_78 : memref<!tpu.dma_semaphore, #tpu.memory_space<semaphore_mem>>) {add = true}
        %dma_wait3A = arith.constant 256 : i32
        %dma_wait3A_87 = arith.constant 0 : i32
        %dma_wait3A_88 = tpu.memref_slice %arg6[%dma_wait3A, %dma_wait3A_87] : memref<768x32xf32, #tpu.memory_space<vmem>> -> memref<128x32xf32, #tpu.memory_space<vmem>>
        %dma_wait3A_89 = arith.constant 0 : i32
        %dma_wait3A_90 = tpu.memref_slice %arg7[%run_scoped3A_74, %dma_wait3A_89] : memref<6x128xi32, #tpu.memory_space<vmem>> -> memref<1x128xi32, #tpu.memory_space<vmem>>
        %dma_wait3A_91 = tpu.memref_squeeze %dma_wait3A_90 : memref<1x128xi32, #tpu.memory_space<vmem>> -> memref<128xi32, #tpu.memory_space<vmem>>
        %dma_wait3A_92 = arith.constant 0 : i32
        %dma_wait3A_93 = arith.constant 0 : i32
        %dma_wait3A_94 = tpu.memref_slice %arg8[%dma_wait3A_92, %dma_wait3A_93] : memref<40016x32xf32, #tpu.memory_space<vmem_shared>> -> memref<40016x32xf32, #tpu.memory_space<vmem_shared>>
        tpu.wait_indirect_dma semaphore(%run_scoped3A_78 : memref<!tpu.dma_semaphore, #tpu.memory_space<semaphore_mem>>) src(%dma_wait3A_88 : memref<128x32xf32, #tpu.memory_space<vmem>>) dst(%dma_wait3A_94 : memref<40016x32xf32, #tpu.memory_space<vmem_shared>>)
        tpu.yield
      }) : () -> ()
      %run_scoped3A_75 = arith.constant 3 : i32
      "tpu.region"() ({
        %run_scoped3A_78 = tpu.sem_alloc : memref<!tpu.dma_semaphore, #tpu.memory_space<semaphore_mem>>
        %dma_start3A = arith.constant 384 : i32
        %dma_start3A_79 = arith.constant 0 : i32
        %dma_start3A_80 = tpu.memref_slice %arg6[%dma_start3A, %dma_start3A_79] : memref<768x32xf32, #tpu.memory_space<vmem>> -> memref<128x32xf32, #tpu.memory_space<vmem>>
        %dma_start3A_81 = arith.constant 0 : i32
        %dma_start3A_82 = tpu.memref_slice %arg7[%run_scoped3A_75, %dma_start3A_81] : memref<6x128xi32, #tpu.memory_space<vmem>> -> memref<1x128xi32, #tpu.memory_space<vmem>>
        %dma_start3A_83 = tpu.memref_squeeze %dma_start3A_82 : memref<1x128xi32, #tpu.memory_space<vmem>> -> memref<128xi32, #tpu.memory_space<vmem>>
        %dma_start3A_84 = arith.constant 0 : i32
        %dma_start3A_85 = arith.constant 0 : i32
        %dma_start3A_86 = tpu.memref_slice %arg8[%dma_start3A_84, %dma_start3A_85] : memref<40016x32xf32, #tpu.memory_space<vmem_shared>> -> memref<40016x32xf32, #tpu.memory_space<vmem_shared>>
        tpu.enqueue_indirect_dma source(%dma_start3A_80 : memref<128x32xf32, #tpu.memory_space<vmem>>) target(%dma_start3A_86 : memref<40016x32xf32, #tpu.memory_space<vmem_shared>>) offsets(%dma_start3A_83 : memref<128xi32, #tpu.memory_space<vmem>>) semaphore(%run_scoped3A_78 : memref<!tpu.dma_semaphore, #tpu.memory_space<semaphore_mem>>) {add = true}
        %dma_wait3A = arith.constant 384 : i32
        %dma_wait3A_87 = arith.constant 0 : i32
        %dma_wait3A_88 = tpu.memref_slice %arg6[%dma_wait3A, %dma_wait3A_87] : memref<768x32xf32, #tpu.memory_space<vmem>> -> memref<128x32xf32, #tpu.memory_space<vmem>>
        %dma_wait3A_89 = arith.constant 0 : i32
        %dma_wait3A_90 = tpu.memref_slice %arg7[%run_scoped3A_75, %dma_wait3A_89] : memref<6x128xi32, #tpu.memory_space<vmem>> -> memref<1x128xi32, #tpu.memory_space<vmem>>
        %dma_wait3A_91 = tpu.memref_squeeze %dma_wait3A_90 : memref<1x128xi32, #tpu.memory_space<vmem>> -> memref<128xi32, #tpu.memory_space<vmem>>
        %dma_wait3A_92 = arith.constant 0 : i32
        %dma_wait3A_93 = arith.constant 0 : i32
        %dma_wait3A_94 = tpu.memref_slice %arg8[%dma_wait3A_92, %dma_wait3A_93] : memref<40016x32xf32, #tpu.memory_space<vmem_shared>> -> memref<40016x32xf32, #tpu.memory_space<vmem_shared>>
        tpu.wait_indirect_dma semaphore(%run_scoped3A_78 : memref<!tpu.dma_semaphore, #tpu.memory_space<semaphore_mem>>) src(%dma_wait3A_88 : memref<128x32xf32, #tpu.memory_space<vmem>>) dst(%dma_wait3A_94 : memref<40016x32xf32, #tpu.memory_space<vmem_shared>>)
        tpu.yield
      }) : () -> ()
      %run_scoped3A_76 = arith.constant 4 : i32
      "tpu.region"() ({
        %run_scoped3A_78 = tpu.sem_alloc : memref<!tpu.dma_semaphore, #tpu.memory_space<semaphore_mem>>
        %dma_start3A = arith.constant 512 : i32
        %dma_start3A_79 = arith.constant 0 : i32
        %dma_start3A_80 = tpu.memref_slice %arg6[%dma_start3A, %dma_start3A_79] : memref<768x32xf32, #tpu.memory_space<vmem>> -> memref<128x32xf32, #tpu.memory_space<vmem>>
        %dma_start3A_81 = arith.constant 0 : i32
        %dma_start3A_82 = tpu.memref_slice %arg7[%run_scoped3A_76, %dma_start3A_81] : memref<6x128xi32, #tpu.memory_space<vmem>> -> memref<1x128xi32, #tpu.memory_space<vmem>>
        %dma_start3A_83 = tpu.memref_squeeze %dma_start3A_82 : memref<1x128xi32, #tpu.memory_space<vmem>> -> memref<128xi32, #tpu.memory_space<vmem>>
        %dma_start3A_84 = arith.constant 0 : i32
        %dma_start3A_85 = arith.constant 0 : i32
        %dma_start3A_86 = tpu.memref_slice %arg8[%dma_start3A_84, %dma_start3A_85] : memref<40016x32xf32, #tpu.memory_space<vmem_shared>> -> memref<40016x32xf32, #tpu.memory_space<vmem_shared>>
        tpu.enqueue_indirect_dma source(%dma_start3A_80 : memref<128x32xf32, #tpu.memory_space<vmem>>) target(%dma_start3A_86 : memref<40016x32xf32, #tpu.memory_space<vmem_shared>>) offsets(%dma_start3A_83 : memref<128xi32, #tpu.memory_space<vmem>>) semaphore(%run_scoped3A_78 : memref<!tpu.dma_semaphore, #tpu.memory_space<semaphore_mem>>) {add = true}
        %dma_wait3A = arith.constant 512 : i32
        %dma_wait3A_87 = arith.constant 0 : i32
        %dma_wait3A_88 = tpu.memref_slice %arg6[%dma_wait3A, %dma_wait3A_87] : memref<768x32xf32, #tpu.memory_space<vmem>> -> memref<128x32xf32, #tpu.memory_space<vmem>>
        %dma_wait3A_89 = arith.constant 0 : i32
        %dma_wait3A_90 = tpu.memref_slice %arg7[%run_scoped3A_76, %dma_wait3A_89] : memref<6x128xi32, #tpu.memory_space<vmem>> -> memref<1x128xi32, #tpu.memory_space<vmem>>
        %dma_wait3A_91 = tpu.memref_squeeze %dma_wait3A_90 : memref<1x128xi32, #tpu.memory_space<vmem>> -> memref<128xi32, #tpu.memory_space<vmem>>
        %dma_wait3A_92 = arith.constant 0 : i32
        %dma_wait3A_93 = arith.constant 0 : i32
        %dma_wait3A_94 = tpu.memref_slice %arg8[%dma_wait3A_92, %dma_wait3A_93] : memref<40016x32xf32, #tpu.memory_space<vmem_shared>> -> memref<40016x32xf32, #tpu.memory_space<vmem_shared>>
        tpu.wait_indirect_dma semaphore(%run_scoped3A_78 : memref<!tpu.dma_semaphore, #tpu.memory_space<semaphore_mem>>) src(%dma_wait3A_88 : memref<128x32xf32, #tpu.memory_space<vmem>>) dst(%dma_wait3A_94 : memref<40016x32xf32, #tpu.memory_space<vmem_shared>>)
        tpu.yield
      }) : () -> ()
      %run_scoped3A_77 = arith.constant 5 : i32
      "tpu.region"() ({
        %run_scoped3A_78 = tpu.sem_alloc : memref<!tpu.dma_semaphore, #tpu.memory_space<semaphore_mem>>
        %dma_start3A = arith.constant 640 : i32
        %dma_start3A_79 = arith.constant 0 : i32
        %dma_start3A_80 = tpu.memref_slice %arg6[%dma_start3A, %dma_start3A_79] : memref<768x32xf32, #tpu.memory_space<vmem>> -> memref<128x32xf32, #tpu.memory_space<vmem>>
        %dma_start3A_81 = arith.constant 0 : i32
        %dma_start3A_82 = tpu.memref_slice %arg7[%run_scoped3A_77, %dma_start3A_81] : memref<6x128xi32, #tpu.memory_space<vmem>> -> memref<1x128xi32, #tpu.memory_space<vmem>>
        %dma_start3A_83 = tpu.memref_squeeze %dma_start3A_82 : memref<1x128xi32, #tpu.memory_space<vmem>> -> memref<128xi32, #tpu.memory_space<vmem>>
        %dma_start3A_84 = arith.constant 0 : i32
        %dma_start3A_85 = arith.constant 0 : i32
        %dma_start3A_86 = tpu.memref_slice %arg8[%dma_start3A_84, %dma_start3A_85] : memref<40016x32xf32, #tpu.memory_space<vmem_shared>> -> memref<40016x32xf32, #tpu.memory_space<vmem_shared>>
        tpu.enqueue_indirect_dma source(%dma_start3A_80 : memref<128x32xf32, #tpu.memory_space<vmem>>) target(%dma_start3A_86 : memref<40016x32xf32, #tpu.memory_space<vmem_shared>>) offsets(%dma_start3A_83 : memref<128xi32, #tpu.memory_space<vmem>>) semaphore(%run_scoped3A_78 : memref<!tpu.dma_semaphore, #tpu.memory_space<semaphore_mem>>) {add = true}
        %dma_wait3A = arith.constant 640 : i32
        %dma_wait3A_87 = arith.constant 0 : i32
        %dma_wait3A_88 = tpu.memref_slice %arg6[%dma_wait3A, %dma_wait3A_87] : memref<768x32xf32, #tpu.memory_space<vmem>> -> memref<128x32xf32, #tpu.memory_space<vmem>>
        %dma_wait3A_89 = arith.constant 0 : i32
        %dma_wait3A_90 = tpu.memref_slice %arg7[%run_scoped3A_77, %dma_wait3A_89] : memref<6x128xi32, #tpu.memory_space<vmem>> -> memref<1x128xi32, #tpu.memory_space<vmem>>
        %dma_wait3A_91 = tpu.memref_squeeze %dma_wait3A_90 : memref<1x128xi32, #tpu.memory_space<vmem>> -> memref<128xi32, #tpu.memory_space<vmem>>
        %dma_wait3A_92 = arith.constant 0 : i32
        %dma_wait3A_93 = arith.constant 0 : i32
        %dma_wait3A_94 = tpu.memref_slice %arg8[%dma_wait3A_92, %dma_wait3A_93] : memref<40016x32xf32, #tpu.memory_space<vmem_shared>> -> memref<40016x32xf32, #tpu.memory_space<vmem_shared>>
        tpu.wait_indirect_dma semaphore(%run_scoped3A_78 : memref<!tpu.dma_semaphore, #tpu.memory_space<semaphore_mem>>) src(%dma_wait3A_88 : memref<128x32xf32, #tpu.memory_space<vmem>>) dst(%dma_wait3A_94 : memref<40016x32xf32, #tpu.memory_space<vmem_shared>>)
        tpu.yield
      }) : () -> ()
    }
    %barrier3A_15 = arith.constant 0 : index
    tpu.barrier barrier_id(%barrier3A_15)
    %mul3A_16 = arith.constant 2500 : i32
    %mul3A_17 = arith.muli %arg1, %mul3A_16 : i32
    %run_scoped3A = arith.constant 0 : i32
    "tpu.region"() ({
      %run_scoped3A_45 = tpu.sem_alloc : memref<!tpu.dma_semaphore, #tpu.memory_space<semaphore_mem>>
      %dma_start3A = arith.constant 0 : i32
      %dma_start3A_46 = tpu.memref_slice %arg5[%arg0, %run_scoped3A, %mul3A_17, %dma_start3A] : memref<2x2x40000x32xf32, #tpu.memory_space<hbm>> -> memref<1x1x2500x32xf32, #tpu.memory_space<hbm>>
      %dma_start3A_47 = tpu.memref_squeeze %dma_start3A_46 : memref<1x1x2500x32xf32, #tpu.memory_space<hbm>> -> memref<2500x32xf32, #tpu.memory_space<hbm>>
      %dma_start3A_48 = arith.constant 0 : i32
      %dma_start3A_49 = tpu.memref_slice %arg8[%mul3A_17, %dma_start3A_48] : memref<40016x32xf32, #tpu.memory_space<vmem_shared>> -> memref<2500x32xf32, #tpu.memory_space<vmem_shared>>
      tpu.enqueue_dma source(%dma_start3A_49 : memref<2500x32xf32, #tpu.memory_space<vmem_shared>>) target(%dma_start3A_47 : memref<2500x32xf32, #tpu.memory_space<hbm>>) target_semaphore(%run_scoped3A_45 : memref<!tpu.dma_semaphore, #tpu.memory_space<semaphore_mem>>)
      %dma_wait3A = arith.constant 0 : i32
      %dma_wait3A_50 = tpu.memref_slice %arg5[%arg0, %run_scoped3A, %mul3A_17, %dma_wait3A] : memref<2x2x40000x32xf32, #tpu.memory_space<hbm>> -> memref<1x1x2500x32xf32, #tpu.memory_space<hbm>>
      %dma_wait3A_51 = tpu.memref_squeeze %dma_wait3A_50 : memref<1x1x2500x32xf32, #tpu.memory_space<hbm>> -> memref<2500x32xf32, #tpu.memory_space<hbm>>
      %dma_wait3A_52 = arith.constant 0 : i32
      %dma_wait3A_53 = tpu.memref_slice %arg8[%mul3A_17, %dma_wait3A_52] : memref<40016x32xf32, #tpu.memory_space<vmem_shared>> -> memref<2500x32xf32, #tpu.memory_space<vmem_shared>>
      tpu.wait_dma2 semaphore(%run_scoped3A_45 : memref<!tpu.dma_semaphore, #tpu.memory_space<semaphore_mem>>) src(%dma_wait3A_53 : memref<2500x32xf32, #tpu.memory_space<vmem_shared>>) dst(%dma_wait3A_51 : memref<2500x32xf32, #tpu.memory_space<hbm>>)
      tpu.yield
    }) : () -> ()
    %barrier3A_18 = arith.constant 0 : index
    tpu.barrier barrier_id(%barrier3A_18)
    %mul3A_19 = arith.constant 2501 : i32
    %mul3A_20 = arith.muli %arg1, %mul3A_19 : i32
    "tpu.region"() ({
      %run_scoped3A_45 = tpu.sem_alloc : memref<!tpu.dma_semaphore, #tpu.memory_space<semaphore_mem>>
      %dma_start3A = arith.constant 0 : i32
      %dma_start3A_46 = tpu.memref_slice %arg8[%mul3A_20, %dma_start3A] : memref<40016x32xf32, #tpu.memory_space<vmem_shared>> -> memref<2501x32xf32, #tpu.memory_space<vmem_shared>>
      %dma_start3A_47 = arith.constant 0 : i32
      %dma_start3A_48 = tpu.memref_slice %arg4[%mul3A_20, %dma_start3A_47] : memref<40016x32xf32, #tpu.memory_space<hbm>> -> memref<2501x32xf32, #tpu.memory_space<hbm>>
      tpu.enqueue_dma source(%dma_start3A_48 : memref<2501x32xf32, #tpu.memory_space<hbm>>) target(%dma_start3A_46 : memref<2501x32xf32, #tpu.memory_space<vmem_shared>>) target_semaphore(%run_scoped3A_45 : memref<!tpu.dma_semaphore, #tpu.memory_space<semaphore_mem>>)
      %dma_wait3A = arith.constant 0 : i32
      %dma_wait3A_49 = tpu.memref_slice %arg8[%mul3A_20, %dma_wait3A] : memref<40016x32xf32, #tpu.memory_space<vmem_shared>> -> memref<2501x32xf32, #tpu.memory_space<vmem_shared>>
      %dma_wait3A_50 = arith.constant 0 : i32
      %dma_wait3A_51 = tpu.memref_slice %arg4[%mul3A_20, %dma_wait3A_50] : memref<40016x32xf32, #tpu.memory_space<hbm>> -> memref<2501x32xf32, #tpu.memory_space<hbm>>
      tpu.wait_dma2 semaphore(%run_scoped3A_45 : memref<!tpu.dma_semaphore, #tpu.memory_space<semaphore_mem>>) src(%dma_wait3A_51 : memref<2501x32xf32, #tpu.memory_space<hbm>>) dst(%dma_wait3A_49 : memref<2501x32xf32, #tpu.memory_space<vmem_shared>>)
      tpu.yield
    }) : () -> ()
    %barrier3A_21 = arith.constant 0 : index
    tpu.barrier barrier_id(%barrier3A_21)
    %sub3A_22 = arith.constant 246 : i32
    %sub3A_23 = arith.subi %sub3A_22, %arg1 : i32
    %sub3A_24 = arith.constant 16 : i32
    %sub3A_25 = arith.constant 1 : i32
    %sub3A_26 = arith.subi %sub3A_24, %sub3A_25 : i32
    %add3A_27 = arith.addi %sub3A_23, %sub3A_26 : i32
    %div3A_28 = arith.constant 16 : i32
    %div3A_29 = arith.divsi %add3A_27, %div3A_28 : i32
    %while3A_30 = arith.constant 16 : i32
    %while3A_31 = arith.constant 0 : i32
    %while3A_32 = arith.subi %div3A_29, %while3A_31 : i32
    %while3A_33 = arith.addi %while3A_31, %while3A_32 : i32
    %while3A_34 = arith.constant 1 : i32
    %while3A_35 = arith.divsi %while3A_32, %while3A_34 : i32
    %while3A_36 = arith.muli %while3A_35, %while3A_34 : i32
    %while3A_37 = arith.addi %while3A_31, %while3A_36 : i32
    %while3A_38 = arith.constant 1 : i32
    scf.for %while3A_45 = %while3A_31 to %while3A_37 step %while3A_38  : i32 {
      %mul3A_46 = arith.muli %while3A_45, %while3A_30 : i32
      %add3A_47 = arith.addi %arg1, %mul3A_46 : i32
      %jit3A = arith.constant 41 : i32
      %div3A_48 = arith.divsi %add3A_47, %jit3A : i32
      %sign3A = arith.constant 0 : i32
      %sign3A_49 = arith.cmpi sgt, %add3A_47, %sign3A : i32
      %sign3A_50 = arith.extui %sign3A_49 : i1 to i32
      %sign3A_51 = arith.constant 0 : i32
      %sign3A_52 = arith.cmpi slt, %add3A_47, %sign3A_51 : i32
      %sign3A_53 = arith.extui %sign3A_52 : i1 to i32
      %sign3A_54 = arith.subi %sign3A_50, %sign3A_53 : i32
      %sign3A_55 = arith.constant 0 : i32
      %sign3A_56 = arith.cmpi sgt, %jit3A, %sign3A_55 : i32
      %sign3A_57 = arith.extui %sign3A_56 : i1 to i32
      %sign3A_58 = arith.constant 0 : i32
      %sign3A_59 = arith.cmpi slt, %jit3A, %sign3A_58 : i32
      %sign3A_60 = arith.extui %sign3A_59 : i1 to i32
      %sign3A_61 = arith.subi %sign3A_57, %sign3A_60 : i32
      %ne3A = arith.cmpi ne, %sign3A_54, %sign3A_61 : i32
      %rem3A = arith.remsi %add3A_47, %jit3A : i32
      %ne3A_62 = arith.constant 0 : i32
      %ne3A_63 = arith.cmpi ne, %rem3A, %ne3A_62 : i32
      %and3A = arith.andi %ne3A, %ne3A_63 : i1
      %sub3A_64 = arith.constant 1 : i32
      %sub3A_65 = arith.subi %div3A_48, %sub3A_64 : i32
      %select_n3A = arith.select %and3A, %sub3A_65, %div3A_48 : i32
      %mul3A_66 = arith.constant 41 : i32
      %mul3A_67 = arith.muli %select_n3A, %mul3A_66 : i32
      %sub3A_68 = arith.subi %add3A_47, %mul3A_67 : i32
      %mul3A_69 = arith.constant 246 : i32
      %mul3A_70 = arith.muli %arg0, %mul3A_69 : i32
      %add3A_71 = arith.addi %mul3A_70, %add3A_47 : i32
      "tpu.region"() ({
        %run_scoped3A_78 = tpu.sem_alloc : memref<!tpu.dma_semaphore, #tpu.memory_space<semaphore_mem>>
        %dma_start3A = arith.constant 0 : i32
        %dma_start3A_79 = arith.constant 0 : i32
        %dma_start3A_80 = tpu.memref_slice %arg3[%add3A_71, %dma_start3A, %dma_start3A_79] : memref<492x6x128xi32, #tpu.memory_space<hbm>> -> memref<1x6x128xi32, #tpu.memory_space<hbm>>
        %dma_start3A_81 = tpu.memref_squeeze %dma_start3A_80 : memref<1x6x128xi32, #tpu.memory_space<hbm>> -> memref<6x128xi32, #tpu.memory_space<hbm>>
        %dma_start3A_82 = arith.constant 0 : i32
        %dma_start3A_83 = arith.constant 0 : i32
        %dma_start3A_84 = tpu.memref_slice %arg3[%add3A_71, %dma_start3A_82, %dma_start3A_83] : memref<492x6x128xi32, #tpu.memory_space<hbm>> -> memref<1x6x128xi32, #tpu.memory_space<hbm>>
        %dma_start3A_85 = tpu.memref_squeeze %dma_start3A_84 : memref<1x6x128xi32, #tpu.memory_space<hbm>> -> memref<6x128xi32, #tpu.memory_space<hbm>>
        tpu.enqueue_dma source(%dma_start3A_85 : memref<6x128xi32, #tpu.memory_space<hbm>>) target(%arg7 : memref<6x128xi32, #tpu.memory_space<vmem>>) target_semaphore(%run_scoped3A_78 : memref<!tpu.dma_semaphore, #tpu.memory_space<semaphore_mem>>)
        %dma_wait3A = arith.constant 0 : i32
        %dma_wait3A_86 = arith.constant 0 : i32
        %dma_wait3A_87 = tpu.memref_slice %arg3[%add3A_71, %dma_wait3A, %dma_wait3A_86] : memref<492x6x128xi32, #tpu.memory_space<hbm>> -> memref<1x6x128xi32, #tpu.memory_space<hbm>>
        %dma_wait3A_88 = tpu.memref_squeeze %dma_wait3A_87 : memref<1x6x128xi32, #tpu.memory_space<hbm>> -> memref<6x128xi32, #tpu.memory_space<hbm>>
        %dma_wait3A_89 = arith.constant 0 : i32
        %dma_wait3A_90 = arith.constant 0 : i32
        %dma_wait3A_91 = tpu.memref_slice %arg3[%add3A_71, %dma_wait3A_89, %dma_wait3A_90] : memref<492x6x128xi32, #tpu.memory_space<hbm>> -> memref<1x6x128xi32, #tpu.memory_space<hbm>>
        %dma_wait3A_92 = tpu.memref_squeeze %dma_wait3A_91 : memref<1x6x128xi32, #tpu.memory_space<hbm>> -> memref<6x128xi32, #tpu.memory_space<hbm>>
        tpu.wait_dma2 semaphore(%run_scoped3A_78 : memref<!tpu.dma_semaphore, #tpu.memory_space<semaphore_mem>>) src(%dma_wait3A_92 : memref<6x128xi32, #tpu.memory_space<hbm>>) dst(%arg7 : memref<6x128xi32, #tpu.memory_space<vmem>>)
        tpu.yield
      }) : () -> ()
      "tpu.region"() ({
        %run_scoped3A_78 = tpu.sem_alloc : memref<!tpu.dma_semaphore, #tpu.memory_space<semaphore_mem>>
        %dma_start3A = arith.constant 0 : i32
        %dma_start3A_79 = arith.constant 0 : i32
        %dma_start3A_80 = tpu.memref_slice %arg6[%dma_start3A, %dma_start3A_79] : memref<768x32xf32, #tpu.memory_space<vmem>> -> memref<704x32xf32, #tpu.memory_space<vmem>>
        %dma_start3A_81 = arith.constant 0 : i32
        %dma_start3A_82 = arith.constant 32 : i32
        %dma_start3A_83 = tpu.memref_slice %arg2[%arg0, %select_n3A, %sub3A_68, %dma_start3A_81, %dma_start3A_82] : memref<2x6x41x704x64xf32, #tpu.memory_space<hbm>> -> memref<1x1x1x704x32xf32, #tpu.memory_space<hbm>>
        %dma_start3A_84 = tpu.memref_squeeze %dma_start3A_83 : memref<1x1x1x704x32xf32, #tpu.memory_space<hbm>> -> memref<704x32xf32, #tpu.memory_space<hbm>>
        %dma_start3A_85 = arith.constant 0 : i32
        %dma_start3A_86 = arith.constant 0 : i32
        %dma_start3A_87 = tpu.memref_slice %arg6[%dma_start3A_85, %dma_start3A_86] : memref<768x32xf32, #tpu.memory_space<vmem>> -> memref<704x32xf32, #tpu.memory_space<vmem>>
        %dma_start3A_88 = arith.constant 0 : i32
        %dma_start3A_89 = arith.constant 32 : i32
        %dma_start3A_90 = tpu.memref_slice %arg2[%arg0, %select_n3A, %sub3A_68, %dma_start3A_88, %dma_start3A_89] : memref<2x6x41x704x64xf32, #tpu.memory_space<hbm>> -> memref<1x1x1x704x32xf32, #tpu.memory_space<hbm>>
        %dma_start3A_91 = tpu.memref_squeeze %dma_start3A_90 : memref<1x1x1x704x32xf32, #tpu.memory_space<hbm>> -> memref<704x32xf32, #tpu.memory_space<hbm>>
        tpu.enqueue_dma source(%dma_start3A_91 : memref<704x32xf32, #tpu.memory_space<hbm>>) target(%dma_start3A_87 : memref<704x32xf32, #tpu.memory_space<vmem>>) target_semaphore(%run_scoped3A_78 : memref<!tpu.dma_semaphore, #tpu.memory_space<semaphore_mem>>)
        %dma_wait3A = arith.constant 0 : i32
        %dma_wait3A_92 = arith.constant 0 : i32
        %dma_wait3A_93 = tpu.memref_slice %arg6[%dma_wait3A, %dma_wait3A_92] : memref<768x32xf32, #tpu.memory_space<vmem>> -> memref<704x32xf32, #tpu.memory_space<vmem>>
        %dma_wait3A_94 = arith.constant 0 : i32
        %dma_wait3A_95 = arith.constant 32 : i32
        %dma_wait3A_96 = tpu.memref_slice %arg2[%arg0, %select_n3A, %sub3A_68, %dma_wait3A_94, %dma_wait3A_95] : memref<2x6x41x704x64xf32, #tpu.memory_space<hbm>> -> memref<1x1x1x704x32xf32, #tpu.memory_space<hbm>>
        %dma_wait3A_97 = tpu.memref_squeeze %dma_wait3A_96 : memref<1x1x1x704x32xf32, #tpu.memory_space<hbm>> -> memref<704x32xf32, #tpu.memory_space<hbm>>
        %dma_wait3A_98 = arith.constant 0 : i32
        %dma_wait3A_99 = arith.constant 0 : i32
        %dma_wait3A_100 = tpu.memref_slice %arg6[%dma_wait3A_98, %dma_wait3A_99] : memref<768x32xf32, #tpu.memory_space<vmem>> -> memref<704x32xf32, #tpu.memory_space<vmem>>
        %dma_wait3A_101 = arith.constant 0 : i32
        %dma_wait3A_102 = arith.constant 32 : i32
        %dma_wait3A_103 = tpu.memref_slice %arg2[%arg0, %select_n3A, %sub3A_68, %dma_wait3A_101, %dma_wait3A_102] : memref<2x6x41x704x64xf32, #tpu.memory_space<hbm>> -> memref<1x1x1x704x32xf32, #tpu.memory_space<hbm>>
        %dma_wait3A_104 = tpu.memref_squeeze %dma_wait3A_103 : memref<1x1x1x704x32xf32, #tpu.memory_space<hbm>> -> memref<704x32xf32, #tpu.memory_space<hbm>>
        tpu.wait_dma2 semaphore(%run_scoped3A_78 : memref<!tpu.dma_semaphore, #tpu.memory_space<semaphore_mem>>) src(%dma_wait3A_104 : memref<704x32xf32, #tpu.memory_space<hbm>>) dst(%dma_wait3A_100 : memref<704x32xf32, #tpu.memory_space<vmem>>)
        tpu.yield
      }) : () -> ()
      %run_scoped3A_72 = arith.constant 0 : i32
      "tpu.region"() ({
        %run_scoped3A_78 = tpu.sem_alloc : memref<!tpu.dma_semaphore, #tpu.memory_space<semaphore_mem>>
        %dma_start3A = arith.constant 0 : i32
        %dma_start3A_79 = arith.constant 0 : i32
        %dma_start3A_80 = tpu.memref_slice %arg6[%dma_start3A, %dma_start3A_79] : memref<768x32xf32, #tpu.memory_space<vmem>> -> memref<128x32xf32, #tpu.memory_space<vmem>>
        %dma_start3A_81 = arith.constant 0 : i32
        %dma_start3A_82 = tpu.memref_slice %arg7[%run_scoped3A_72, %dma_start3A_81] : memref<6x128xi32, #tpu.memory_space<vmem>> -> memref<1x128xi32, #tpu.memory_space<vmem>>
        %dma_start3A_83 = tpu.memref_squeeze %dma_start3A_82 : memref<1x128xi32, #tpu.memory_space<vmem>> -> memref<128xi32, #tpu.memory_space<vmem>>
        %dma_start3A_84 = arith.constant 0 : i32
        %dma_start3A_85 = arith.constant 0 : i32
        %dma_start3A_86 = tpu.memref_slice %arg8[%dma_start3A_84, %dma_start3A_85] : memref<40016x32xf32, #tpu.memory_space<vmem_shared>> -> memref<40016x32xf32, #tpu.memory_space<vmem_shared>>
        tpu.enqueue_indirect_dma source(%dma_start3A_80 : memref<128x32xf32, #tpu.memory_space<vmem>>) target(%dma_start3A_86 : memref<40016x32xf32, #tpu.memory_space<vmem_shared>>) offsets(%dma_start3A_83 : memref<128xi32, #tpu.memory_space<vmem>>) semaphore(%run_scoped3A_78 : memref<!tpu.dma_semaphore, #tpu.memory_space<semaphore_mem>>) {add = true}
        %dma_wait3A = arith.constant 0 : i32
        %dma_wait3A_87 = arith.constant 0 : i32
        %dma_wait3A_88 = tpu.memref_slice %arg6[%dma_wait3A, %dma_wait3A_87] : memref<768x32xf32, #tpu.memory_space<vmem>> -> memref<128x32xf32, #tpu.memory_space<vmem>>
        %dma_wait3A_89 = arith.constant 0 : i32
        %dma_wait3A_90 = tpu.memref_slice %arg7[%run_scoped3A_72, %dma_wait3A_89] : memref<6x128xi32, #tpu.memory_space<vmem>> -> memref<1x128xi32, #tpu.memory_space<vmem>>
        %dma_wait3A_91 = tpu.memref_squeeze %dma_wait3A_90 : memref<1x128xi32, #tpu.memory_space<vmem>> -> memref<128xi32, #tpu.memory_space<vmem>>
        %dma_wait3A_92 = arith.constant 0 : i32
        %dma_wait3A_93 = arith.constant 0 : i32
        %dma_wait3A_94 = tpu.memref_slice %arg8[%dma_wait3A_92, %dma_wait3A_93] : memref<40016x32xf32, #tpu.memory_space<vmem_shared>> -> memref<40016x32xf32, #tpu.memory_space<vmem_shared>>
        tpu.wait_indirect_dma semaphore(%run_scoped3A_78 : memref<!tpu.dma_semaphore, #tpu.memory_space<semaphore_mem>>) src(%dma_wait3A_88 : memref<128x32xf32, #tpu.memory_space<vmem>>) dst(%dma_wait3A_94 : memref<40016x32xf32, #tpu.memory_space<vmem_shared>>)
        tpu.yield
      }) : () -> ()
      %run_scoped3A_73 = arith.constant 1 : i32
      "tpu.region"() ({
        %run_scoped3A_78 = tpu.sem_alloc : memref<!tpu.dma_semaphore, #tpu.memory_space<semaphore_mem>>
        %dma_start3A = arith.constant 128 : i32
        %dma_start3A_79 = arith.constant 0 : i32
        %dma_start3A_80 = tpu.memref_slice %arg6[%dma_start3A, %dma_start3A_79] : memref<768x32xf32, #tpu.memory_space<vmem>> -> memref<128x32xf32, #tpu.memory_space<vmem>>
        %dma_start3A_81 = arith.constant 0 : i32
        %dma_start3A_82 = tpu.memref_slice %arg7[%run_scoped3A_73, %dma_start3A_81] : memref<6x128xi32, #tpu.memory_space<vmem>> -> memref<1x128xi32, #tpu.memory_space<vmem>>
        %dma_start3A_83 = tpu.memref_squeeze %dma_start3A_82 : memref<1x128xi32, #tpu.memory_space<vmem>> -> memref<128xi32, #tpu.memory_space<vmem>>
        %dma_start3A_84 = arith.constant 0 : i32
        %dma_start3A_85 = arith.constant 0 : i32
        %dma_start3A_86 = tpu.memref_slice %arg8[%dma_start3A_84, %dma_start3A_85] : memref<40016x32xf32, #tpu.memory_space<vmem_shared>> -> memref<40016x32xf32, #tpu.memory_space<vmem_shared>>
        tpu.enqueue_indirect_dma source(%dma_start3A_80 : memref<128x32xf32, #tpu.memory_space<vmem>>) target(%dma_start3A_86 : memref<40016x32xf32, #tpu.memory_space<vmem_shared>>) offsets(%dma_start3A_83 : memref<128xi32, #tpu.memory_space<vmem>>) semaphore(%run_scoped3A_78 : memref<!tpu.dma_semaphore, #tpu.memory_space<semaphore_mem>>) {add = true}
        %dma_wait3A = arith.constant 128 : i32
        %dma_wait3A_87 = arith.constant 0 : i32
        %dma_wait3A_88 = tpu.memref_slice %arg6[%dma_wait3A, %dma_wait3A_87] : memref<768x32xf32, #tpu.memory_space<vmem>> -> memref<128x32xf32, #tpu.memory_space<vmem>>
        %dma_wait3A_89 = arith.constant 0 : i32
        %dma_wait3A_90 = tpu.memref_slice %arg7[%run_scoped3A_73, %dma_wait3A_89] : memref<6x128xi32, #tpu.memory_space<vmem>> -> memref<1x128xi32, #tpu.memory_space<vmem>>
        %dma_wait3A_91 = tpu.memref_squeeze %dma_wait3A_90 : memref<1x128xi32, #tpu.memory_space<vmem>> -> memref<128xi32, #tpu.memory_space<vmem>>
        %dma_wait3A_92 = arith.constant 0 : i32
        %dma_wait3A_93 = arith.constant 0 : i32
        %dma_wait3A_94 = tpu.memref_slice %arg8[%dma_wait3A_92, %dma_wait3A_93] : memref<40016x32xf32, #tpu.memory_space<vmem_shared>> -> memref<40016x32xf32, #tpu.memory_space<vmem_shared>>
        tpu.wait_indirect_dma semaphore(%run_scoped3A_78 : memref<!tpu.dma_semaphore, #tpu.memory_space<semaphore_mem>>) src(%dma_wait3A_88 : memref<128x32xf32, #tpu.memory_space<vmem>>) dst(%dma_wait3A_94 : memref<40016x32xf32, #tpu.memory_space<vmem_shared>>)
        tpu.yield
      }) : () -> ()
      %run_scoped3A_74 = arith.constant 2 : i32
      "tpu.region"() ({
        %run_scoped3A_78 = tpu.sem_alloc : memref<!tpu.dma_semaphore, #tpu.memory_space<semaphore_mem>>
        %dma_start3A = arith.constant 256 : i32
        %dma_start3A_79 = arith.constant 0 : i32
        %dma_start3A_80 = tpu.memref_slice %arg6[%dma_start3A, %dma_start3A_79] : memref<768x32xf32, #tpu.memory_space<vmem>> -> memref<128x32xf32, #tpu.memory_space<vmem>>
        %dma_start3A_81 = arith.constant 0 : i32
        %dma_start3A_82 = tpu.memref_slice %arg7[%run_scoped3A_74, %dma_start3A_81] : memref<6x128xi32, #tpu.memory_space<vmem>> -> memref<1x128xi32, #tpu.memory_space<vmem>>
        %dma_start3A_83 = tpu.memref_squeeze %dma_start3A_82 : memref<1x128xi32, #tpu.memory_space<vmem>> -> memref<128xi32, #tpu.memory_space<vmem>>
        %dma_start3A_84 = arith.constant 0 : i32
        %dma_start3A_85 = arith.constant 0 : i32
        %dma_start3A_86 = tpu.memref_slice %arg8[%dma_start3A_84, %dma_start3A_85] : memref<40016x32xf32, #tpu.memory_space<vmem_shared>> -> memref<40016x32xf32, #tpu.memory_space<vmem_shared>>
        tpu.enqueue_indirect_dma source(%dma_start3A_80 : memref<128x32xf32, #tpu.memory_space<vmem>>) target(%dma_start3A_86 : memref<40016x32xf32, #tpu.memory_space<vmem_shared>>) offsets(%dma_start3A_83 : memref<128xi32, #tpu.memory_space<vmem>>) semaphore(%run_scoped3A_78 : memref<!tpu.dma_semaphore, #tpu.memory_space<semaphore_mem>>) {add = true}
        %dma_wait3A = arith.constant 256 : i32
        %dma_wait3A_87 = arith.constant 0 : i32
        %dma_wait3A_88 = tpu.memref_slice %arg6[%dma_wait3A, %dma_wait3A_87] : memref<768x32xf32, #tpu.memory_space<vmem>> -> memref<128x32xf32, #tpu.memory_space<vmem>>
        %dma_wait3A_89 = arith.constant 0 : i32
        %dma_wait3A_90 = tpu.memref_slice %arg7[%run_scoped3A_74, %dma_wait3A_89] : memref<6x128xi32, #tpu.memory_space<vmem>> -> memref<1x128xi32, #tpu.memory_space<vmem>>
        %dma_wait3A_91 = tpu.memref_squeeze %dma_wait3A_90 : memref<1x128xi32, #tpu.memory_space<vmem>> -> memref<128xi32, #tpu.memory_space<vmem>>
        %dma_wait3A_92 = arith.constant 0 : i32
        %dma_wait3A_93 = arith.constant 0 : i32
        %dma_wait3A_94 = tpu.memref_slice %arg8[%dma_wait3A_92, %dma_wait3A_93] : memref<40016x32xf32, #tpu.memory_space<vmem_shared>> -> memref<40016x32xf32, #tpu.memory_space<vmem_shared>>
        tpu.wait_indirect_dma semaphore(%run_scoped3A_78 : memref<!tpu.dma_semaphore, #tpu.memory_space<semaphore_mem>>) src(%dma_wait3A_88 : memref<128x32xf32, #tpu.memory_space<vmem>>) dst(%dma_wait3A_94 : memref<40016x32xf32, #tpu.memory_space<vmem_shared>>)
        tpu.yield
      }) : () -> ()
      %run_scoped3A_75 = arith.constant 3 : i32
      "tpu.region"() ({
        %run_scoped3A_78 = tpu.sem_alloc : memref<!tpu.dma_semaphore, #tpu.memory_space<semaphore_mem>>
        %dma_start3A = arith.constant 384 : i32
        %dma_start3A_79 = arith.constant 0 : i32
        %dma_start3A_80 = tpu.memref_slice %arg6[%dma_start3A, %dma_start3A_79] : memref<768x32xf32, #tpu.memory_space<vmem>> -> memref<128x32xf32, #tpu.memory_space<vmem>>
        %dma_start3A_81 = arith.constant 0 : i32
        %dma_start3A_82 = tpu.memref_slice %arg7[%run_scoped3A_75, %dma_start3A_81] : memref<6x128xi32, #tpu.memory_space<vmem>> -> memref<1x128xi32, #tpu.memory_space<vmem>>
        %dma_start3A_83 = tpu.memref_squeeze %dma_start3A_82 : memref<1x128xi32, #tpu.memory_space<vmem>> -> memref<128xi32, #tpu.memory_space<vmem>>
        %dma_start3A_84 = arith.constant 0 : i32
        %dma_start3A_85 = arith.constant 0 : i32
        %dma_start3A_86 = tpu.memref_slice %arg8[%dma_start3A_84, %dma_start3A_85] : memref<40016x32xf32, #tpu.memory_space<vmem_shared>> -> memref<40016x32xf32, #tpu.memory_space<vmem_shared>>
        tpu.enqueue_indirect_dma source(%dma_start3A_80 : memref<128x32xf32, #tpu.memory_space<vmem>>) target(%dma_start3A_86 : memref<40016x32xf32, #tpu.memory_space<vmem_shared>>) offsets(%dma_start3A_83 : memref<128xi32, #tpu.memory_space<vmem>>) semaphore(%run_scoped3A_78 : memref<!tpu.dma_semaphore, #tpu.memory_space<semaphore_mem>>) {add = true}
        %dma_wait3A = arith.constant 384 : i32
        %dma_wait3A_87 = arith.constant 0 : i32
        %dma_wait3A_88 = tpu.memref_slice %arg6[%dma_wait3A, %dma_wait3A_87] : memref<768x32xf32, #tpu.memory_space<vmem>> -> memref<128x32xf32, #tpu.memory_space<vmem>>
        %dma_wait3A_89 = arith.constant 0 : i32
        %dma_wait3A_90 = tpu.memref_slice %arg7[%run_scoped3A_75, %dma_wait3A_89] : memref<6x128xi32, #tpu.memory_space<vmem>> -> memref<1x128xi32, #tpu.memory_space<vmem>>
        %dma_wait3A_91 = tpu.memref_squeeze %dma_wait3A_90 : memref<1x128xi32, #tpu.memory_space<vmem>> -> memref<128xi32, #tpu.memory_space<vmem>>
        %dma_wait3A_92 = arith.constant 0 : i32
        %dma_wait3A_93 = arith.constant 0 : i32
        %dma_wait3A_94 = tpu.memref_slice %arg8[%dma_wait3A_92, %dma_wait3A_93] : memref<40016x32xf32, #tpu.memory_space<vmem_shared>> -> memref<40016x32xf32, #tpu.memory_space<vmem_shared>>
        tpu.wait_indirect_dma semaphore(%run_scoped3A_78 : memref<!tpu.dma_semaphore, #tpu.memory_space<semaphore_mem>>) src(%dma_wait3A_88 : memref<128x32xf32, #tpu.memory_space<vmem>>) dst(%dma_wait3A_94 : memref<40016x32xf32, #tpu.memory_space<vmem_shared>>)
        tpu.yield
      }) : () -> ()
      %run_scoped3A_76 = arith.constant 4 : i32
      "tpu.region"() ({
        %run_scoped3A_78 = tpu.sem_alloc : memref<!tpu.dma_semaphore, #tpu.memory_space<semaphore_mem>>
        %dma_start3A = arith.constant 512 : i32
        %dma_start3A_79 = arith.constant 0 : i32
        %dma_start3A_80 = tpu.memref_slice %arg6[%dma_start3A, %dma_start3A_79] : memref<768x32xf32, #tpu.memory_space<vmem>> -> memref<128x32xf32, #tpu.memory_space<vmem>>
        %dma_start3A_81 = arith.constant 0 : i32
        %dma_start3A_82 = tpu.memref_slice %arg7[%run_scoped3A_76, %dma_start3A_81] : memref<6x128xi32, #tpu.memory_space<vmem>> -> memref<1x128xi32, #tpu.memory_space<vmem>>
        %dma_start3A_83 = tpu.memref_squeeze %dma_start3A_82 : memref<1x128xi32, #tpu.memory_space<vmem>> -> memref<128xi32, #tpu.memory_space<vmem>>
        %dma_start3A_84 = arith.constant 0 : i32
        %dma_start3A_85 = arith.constant 0 : i32
        %dma_start3A_86 = tpu.memref_slice %arg8[%dma_start3A_84, %dma_start3A_85] : memref<40016x32xf32, #tpu.memory_space<vmem_shared>> -> memref<40016x32xf32, #tpu.memory_space<vmem_shared>>
        tpu.enqueue_indirect_dma source(%dma_start3A_80 : memref<128x32xf32, #tpu.memory_space<vmem>>) target(%dma_start3A_86 : memref<40016x32xf32, #tpu.memory_space<vmem_shared>>) offsets(%dma_start3A_83 : memref<128xi32, #tpu.memory_space<vmem>>) semaphore(%run_scoped3A_78 : memref<!tpu.dma_semaphore, #tpu.memory_space<semaphore_mem>>) {add = true}
        %dma_wait3A = arith.constant 512 : i32
        %dma_wait3A_87 = arith.constant 0 : i32
        %dma_wait3A_88 = tpu.memref_slice %arg6[%dma_wait3A, %dma_wait3A_87] : memref<768x32xf32, #tpu.memory_space<vmem>> -> memref<128x32xf32, #tpu.memory_space<vmem>>
        %dma_wait3A_89 = arith.constant 0 : i32
        %dma_wait3A_90 = tpu.memref_slice %arg7[%run_scoped3A_76, %dma_wait3A_89] : memref<6x128xi32, #tpu.memory_space<vmem>> -> memref<1x128xi32, #tpu.memory_space<vmem>>
        %dma_wait3A_91 = tpu.memref_squeeze %dma_wait3A_90 : memref<1x128xi32, #tpu.memory_space<vmem>> -> memref<128xi32, #tpu.memory_space<vmem>>
        %dma_wait3A_92 = arith.constant 0 : i32
        %dma_wait3A_93 = arith.constant 0 : i32
        %dma_wait3A_94 = tpu.memref_slice %arg8[%dma_wait3A_92, %dma_wait3A_93] : memref<40016x32xf32, #tpu.memory_space<vmem_shared>> -> memref<40016x32xf32, #tpu.memory_space<vmem_shared>>
        tpu.wait_indirect_dma semaphore(%run_scoped3A_78 : memref<!tpu.dma_semaphore, #tpu.memory_space<semaphore_mem>>) src(%dma_wait3A_88 : memref<128x32xf32, #tpu.memory_space<vmem>>) dst(%dma_wait3A_94 : memref<40016x32xf32, #tpu.memory_space<vmem_shared>>)
        tpu.yield
      }) : () -> ()
      %run_scoped3A_77 = arith.constant 5 : i32
      "tpu.region"() ({
        %run_scoped3A_78 = tpu.sem_alloc : memref<!tpu.dma_semaphore, #tpu.memory_space<semaphore_mem>>
        %dma_start3A = arith.constant 640 : i32
        %dma_start3A_79 = arith.constant 0 : i32
        %dma_start3A_80 = tpu.memref_slice %arg6[%dma_start3A, %dma_start3A_79] : memref<768x32xf32, #tpu.memory_space<vmem>> -> memref<128x32xf32, #tpu.memory_space<vmem>>
        %dma_start3A_81 = arith.constant 0 : i32
        %dma_start3A_82 = tpu.memref_slice %arg7[%run_scoped3A_77, %dma_start3A_81] : memref<6x128xi32, #tpu.memory_space<vmem>> -> memref<1x128xi32, #tpu.memory_space<vmem>>
        %dma_start3A_83 = tpu.memref_squeeze %dma_start3A_82 : memref<1x128xi32, #tpu.memory_space<vmem>> -> memref<128xi32, #tpu.memory_space<vmem>>
        %dma_start3A_84 = arith.constant 0 : i32
        %dma_start3A_85 = arith.constant 0 : i32
        %dma_start3A_86 = tpu.memref_slice %arg8[%dma_start3A_84, %dma_start3A_85] : memref<40016x32xf32, #tpu.memory_space<vmem_shared>> -> memref<40016x32xf32, #tpu.memory_space<vmem_shared>>
        tpu.enqueue_indirect_dma source(%dma_start3A_80 : memref<128x32xf32, #tpu.memory_space<vmem>>) target(%dma_start3A_86 : memref<40016x32xf32, #tpu.memory_space<vmem_shared>>) offsets(%dma_start3A_83 : memref<128xi32, #tpu.memory_space<vmem>>) semaphore(%run_scoped3A_78 : memref<!tpu.dma_semaphore, #tpu.memory_space<semaphore_mem>>) {add = true}
        %dma_wait3A = arith.constant 640 : i32
        %dma_wait3A_87 = arith.constant 0 : i32
        %dma_wait3A_88 = tpu.memref_slice %arg6[%dma_wait3A, %dma_wait3A_87] : memref<768x32xf32, #tpu.memory_space<vmem>> -> memref<128x32xf32, #tpu.memory_space<vmem>>
        %dma_wait3A_89 = arith.constant 0 : i32
        %dma_wait3A_90 = tpu.memref_slice %arg7[%run_scoped3A_77, %dma_wait3A_89] : memref<6x128xi32, #tpu.memory_space<vmem>> -> memref<1x128xi32, #tpu.memory_space<vmem>>
        %dma_wait3A_91 = tpu.memref_squeeze %dma_wait3A_90 : memref<1x128xi32, #tpu.memory_space<vmem>> -> memref<128xi32, #tpu.memory_space<vmem>>
        %dma_wait3A_92 = arith.constant 0 : i32
        %dma_wait3A_93 = arith.constant 0 : i32
        %dma_wait3A_94 = tpu.memref_slice %arg8[%dma_wait3A_92, %dma_wait3A_93] : memref<40016x32xf32, #tpu.memory_space<vmem_shared>> -> memref<40016x32xf32, #tpu.memory_space<vmem_shared>>
        tpu.wait_indirect_dma semaphore(%run_scoped3A_78 : memref<!tpu.dma_semaphore, #tpu.memory_space<semaphore_mem>>) src(%dma_wait3A_88 : memref<128x32xf32, #tpu.memory_space<vmem>>) dst(%dma_wait3A_94 : memref<40016x32xf32, #tpu.memory_space<vmem_shared>>)
        tpu.yield
      }) : () -> ()
    }
    %while3A_39 = arith.constant 1 : i32
    scf.for %while3A_45 = %while3A_37 to %while3A_33 step %while3A_39  : i32 {
      %mul3A_46 = arith.muli %while3A_45, %while3A_30 : i32
      %add3A_47 = arith.addi %arg1, %mul3A_46 : i32
      %jit3A = arith.constant 41 : i32
      %div3A_48 = arith.divsi %add3A_47, %jit3A : i32
      %sign3A = arith.constant 0 : i32
      %sign3A_49 = arith.cmpi sgt, %add3A_47, %sign3A : i32
      %sign3A_50 = arith.extui %sign3A_49 : i1 to i32
      %sign3A_51 = arith.constant 0 : i32
      %sign3A_52 = arith.cmpi slt, %add3A_47, %sign3A_51 : i32
      %sign3A_53 = arith.extui %sign3A_52 : i1 to i32
      %sign3A_54 = arith.subi %sign3A_50, %sign3A_53 : i32
      %sign3A_55 = arith.constant 0 : i32
      %sign3A_56 = arith.cmpi sgt, %jit3A, %sign3A_55 : i32
      %sign3A_57 = arith.extui %sign3A_56 : i1 to i32
      %sign3A_58 = arith.constant 0 : i32
      %sign3A_59 = arith.cmpi slt, %jit3A, %sign3A_58 : i32
      %sign3A_60 = arith.extui %sign3A_59 : i1 to i32
      %sign3A_61 = arith.subi %sign3A_57, %sign3A_60 : i32
      %ne3A = arith.cmpi ne, %sign3A_54, %sign3A_61 : i32
      %rem3A = arith.remsi %add3A_47, %jit3A : i32
      %ne3A_62 = arith.constant 0 : i32
      %ne3A_63 = arith.cmpi ne, %rem3A, %ne3A_62 : i32
      %and3A = arith.andi %ne3A, %ne3A_63 : i1
      %sub3A_64 = arith.constant 1 : i32
      %sub3A_65 = arith.subi %div3A_48, %sub3A_64 : i32
      %select_n3A = arith.select %and3A, %sub3A_65, %div3A_48 : i32
      %mul3A_66 = arith.constant 41 : i32
      %mul3A_67 = arith.muli %select_n3A, %mul3A_66 : i32
      %sub3A_68 = arith.subi %add3A_47, %mul3A_67 : i32
      %mul3A_69 = arith.constant 246 : i32
      %mul3A_70 = arith.muli %arg0, %mul3A_69 : i32
      %add3A_71 = arith.addi %mul3A_70, %add3A_47 : i32
      "tpu.region"() ({
        %run_scoped3A_78 = tpu.sem_alloc : memref<!tpu.dma_semaphore, #tpu.memory_space<semaphore_mem>>
        %dma_start3A = arith.constant 0 : i32
        %dma_start3A_79 = arith.constant 0 : i32
        %dma_start3A_80 = tpu.memref_slice %arg3[%add3A_71, %dma_start3A, %dma_start3A_79] : memref<492x6x128xi32, #tpu.memory_space<hbm>> -> memref<1x6x128xi32, #tpu.memory_space<hbm>>
        %dma_start3A_81 = tpu.memref_squeeze %dma_start3A_80 : memref<1x6x128xi32, #tpu.memory_space<hbm>> -> memref<6x128xi32, #tpu.memory_space<hbm>>
        %dma_start3A_82 = arith.constant 0 : i32
        %dma_start3A_83 = arith.constant 0 : i32
        %dma_start3A_84 = tpu.memref_slice %arg3[%add3A_71, %dma_start3A_82, %dma_start3A_83] : memref<492x6x128xi32, #tpu.memory_space<hbm>> -> memref<1x6x128xi32, #tpu.memory_space<hbm>>
        %dma_start3A_85 = tpu.memref_squeeze %dma_start3A_84 : memref<1x6x128xi32, #tpu.memory_space<hbm>> -> memref<6x128xi32, #tpu.memory_space<hbm>>
        tpu.enqueue_dma source(%dma_start3A_85 : memref<6x128xi32, #tpu.memory_space<hbm>>) target(%arg7 : memref<6x128xi32, #tpu.memory_space<vmem>>) target_semaphore(%run_scoped3A_78 : memref<!tpu.dma_semaphore, #tpu.memory_space<semaphore_mem>>)
        %dma_wait3A = arith.constant 0 : i32
        %dma_wait3A_86 = arith.constant 0 : i32
        %dma_wait3A_87 = tpu.memref_slice %arg3[%add3A_71, %dma_wait3A, %dma_wait3A_86] : memref<492x6x128xi32, #tpu.memory_space<hbm>> -> memref<1x6x128xi32, #tpu.memory_space<hbm>>
        %dma_wait3A_88 = tpu.memref_squeeze %dma_wait3A_87 : memref<1x6x128xi32, #tpu.memory_space<hbm>> -> memref<6x128xi32, #tpu.memory_space<hbm>>
        %dma_wait3A_89 = arith.constant 0 : i32
        %dma_wait3A_90 = arith.constant 0 : i32
        %dma_wait3A_91 = tpu.memref_slice %arg3[%add3A_71, %dma_wait3A_89, %dma_wait3A_90] : memref<492x6x128xi32, #tpu.memory_space<hbm>> -> memref<1x6x128xi32, #tpu.memory_space<hbm>>
        %dma_wait3A_92 = tpu.memref_squeeze %dma_wait3A_91 : memref<1x6x128xi32, #tpu.memory_space<hbm>> -> memref<6x128xi32, #tpu.memory_space<hbm>>
        tpu.wait_dma2 semaphore(%run_scoped3A_78 : memref<!tpu.dma_semaphore, #tpu.memory_space<semaphore_mem>>) src(%dma_wait3A_92 : memref<6x128xi32, #tpu.memory_space<hbm>>) dst(%arg7 : memref<6x128xi32, #tpu.memory_space<vmem>>)
        tpu.yield
      }) : () -> ()
      "tpu.region"() ({
        %run_scoped3A_78 = tpu.sem_alloc : memref<!tpu.dma_semaphore, #tpu.memory_space<semaphore_mem>>
        %dma_start3A = arith.constant 0 : i32
        %dma_start3A_79 = arith.constant 0 : i32
        %dma_start3A_80 = tpu.memref_slice %arg6[%dma_start3A, %dma_start3A_79] : memref<768x32xf32, #tpu.memory_space<vmem>> -> memref<704x32xf32, #tpu.memory_space<vmem>>
        %dma_start3A_81 = arith.constant 0 : i32
        %dma_start3A_82 = arith.constant 32 : i32
        %dma_start3A_83 = tpu.memref_slice %arg2[%arg0, %select_n3A, %sub3A_68, %dma_start3A_81, %dma_start3A_82] : memref<2x6x41x704x64xf32, #tpu.memory_space<hbm>> -> memref<1x1x1x704x32xf32, #tpu.memory_space<hbm>>
        %dma_start3A_84 = tpu.memref_squeeze %dma_start3A_83 : memref<1x1x1x704x32xf32, #tpu.memory_space<hbm>> -> memref<704x32xf32, #tpu.memory_space<hbm>>
        %dma_start3A_85 = arith.constant 0 : i32
        %dma_start3A_86 = arith.constant 0 : i32
        %dma_start3A_87 = tpu.memref_slice %arg6[%dma_start3A_85, %dma_start3A_86] : memref<768x32xf32, #tpu.memory_space<vmem>> -> memref<704x32xf32, #tpu.memory_space<vmem>>
        %dma_start3A_88 = arith.constant 0 : i32
        %dma_start3A_89 = arith.constant 32 : i32
        %dma_start3A_90 = tpu.memref_slice %arg2[%arg0, %select_n3A, %sub3A_68, %dma_start3A_88, %dma_start3A_89] : memref<2x6x41x704x64xf32, #tpu.memory_space<hbm>> -> memref<1x1x1x704x32xf32, #tpu.memory_space<hbm>>
        %dma_start3A_91 = tpu.memref_squeeze %dma_start3A_90 : memref<1x1x1x704x32xf32, #tpu.memory_space<hbm>> -> memref<704x32xf32, #tpu.memory_space<hbm>>
        tpu.enqueue_dma source(%dma_start3A_91 : memref<704x32xf32, #tpu.memory_space<hbm>>) target(%dma_start3A_87 : memref<704x32xf32, #tpu.memory_space<vmem>>) target_semaphore(%run_scoped3A_78 : memref<!tpu.dma_semaphore, #tpu.memory_space<semaphore_mem>>)
        %dma_wait3A = arith.constant 0 : i32
        %dma_wait3A_92 = arith.constant 0 : i32
        %dma_wait3A_93 = tpu.memref_slice %arg6[%dma_wait3A, %dma_wait3A_92] : memref<768x32xf32, #tpu.memory_space<vmem>> -> memref<704x32xf32, #tpu.memory_space<vmem>>
        %dma_wait3A_94 = arith.constant 0 : i32
        %dma_wait3A_95 = arith.constant 32 : i32
        %dma_wait3A_96 = tpu.memref_slice %arg2[%arg0, %select_n3A, %sub3A_68, %dma_wait3A_94, %dma_wait3A_95] : memref<2x6x41x704x64xf32, #tpu.memory_space<hbm>> -> memref<1x1x1x704x32xf32, #tpu.memory_space<hbm>>
        %dma_wait3A_97 = tpu.memref_squeeze %dma_wait3A_96 : memref<1x1x1x704x32xf32, #tpu.memory_space<hbm>> -> memref<704x32xf32, #tpu.memory_space<hbm>>
        %dma_wait3A_98 = arith.constant 0 : i32
        %dma_wait3A_99 = arith.constant 0 : i32
        %dma_wait3A_100 = tpu.memref_slice %arg6[%dma_wait3A_98, %dma_wait3A_99] : memref<768x32xf32, #tpu.memory_space<vmem>> -> memref<704x32xf32, #tpu.memory_space<vmem>>
        %dma_wait3A_101 = arith.constant 0 : i32
        %dma_wait3A_102 = arith.constant 32 : i32
        %dma_wait3A_103 = tpu.memref_slice %arg2[%arg0, %select_n3A, %sub3A_68, %dma_wait3A_101, %dma_wait3A_102] : memref<2x6x41x704x64xf32, #tpu.memory_space<hbm>> -> memref<1x1x1x704x32xf32, #tpu.memory_space<hbm>>
        %dma_wait3A_104 = tpu.memref_squeeze %dma_wait3A_103 : memref<1x1x1x704x32xf32, #tpu.memory_space<hbm>> -> memref<704x32xf32, #tpu.memory_space<hbm>>
        tpu.wait_dma2 semaphore(%run_scoped3A_78 : memref<!tpu.dma_semaphore, #tpu.memory_space<semaphore_mem>>) src(%dma_wait3A_104 : memref<704x32xf32, #tpu.memory_space<hbm>>) dst(%dma_wait3A_100 : memref<704x32xf32, #tpu.memory_space<vmem>>)
        tpu.yield
      }) : () -> ()
      %run_scoped3A_72 = arith.constant 0 : i32
      "tpu.region"() ({
        %run_scoped3A_78 = tpu.sem_alloc : memref<!tpu.dma_semaphore, #tpu.memory_space<semaphore_mem>>
        %dma_start3A = arith.constant 0 : i32
        %dma_start3A_79 = arith.constant 0 : i32
        %dma_start3A_80 = tpu.memref_slice %arg6[%dma_start3A, %dma_start3A_79] : memref<768x32xf32, #tpu.memory_space<vmem>> -> memref<128x32xf32, #tpu.memory_space<vmem>>
        %dma_start3A_81 = arith.constant 0 : i32
        %dma_start3A_82 = tpu.memref_slice %arg7[%run_scoped3A_72, %dma_start3A_81] : memref<6x128xi32, #tpu.memory_space<vmem>> -> memref<1x128xi32, #tpu.memory_space<vmem>>
        %dma_start3A_83 = tpu.memref_squeeze %dma_start3A_82 : memref<1x128xi32, #tpu.memory_space<vmem>> -> memref<128xi32, #tpu.memory_space<vmem>>
        %dma_start3A_84 = arith.constant 0 : i32
        %dma_start3A_85 = arith.constant 0 : i32
        %dma_start3A_86 = tpu.memref_slice %arg8[%dma_start3A_84, %dma_start3A_85] : memref<40016x32xf32, #tpu.memory_space<vmem_shared>> -> memref<40016x32xf32, #tpu.memory_space<vmem_shared>>
        tpu.enqueue_indirect_dma source(%dma_start3A_80 : memref<128x32xf32, #tpu.memory_space<vmem>>) target(%dma_start3A_86 : memref<40016x32xf32, #tpu.memory_space<vmem_shared>>) offsets(%dma_start3A_83 : memref<128xi32, #tpu.memory_space<vmem>>) semaphore(%run_scoped3A_78 : memref<!tpu.dma_semaphore, #tpu.memory_space<semaphore_mem>>) {add = true}
        %dma_wait3A = arith.constant 0 : i32
        %dma_wait3A_87 = arith.constant 0 : i32
        %dma_wait3A_88 = tpu.memref_slice %arg6[%dma_wait3A, %dma_wait3A_87] : memref<768x32xf32, #tpu.memory_space<vmem>> -> memref<128x32xf32, #tpu.memory_space<vmem>>
        %dma_wait3A_89 = arith.constant 0 : i32
        %dma_wait3A_90 = tpu.memref_slice %arg7[%run_scoped3A_72, %dma_wait3A_89] : memref<6x128xi32, #tpu.memory_space<vmem>> -> memref<1x128xi32, #tpu.memory_space<vmem>>
        %dma_wait3A_91 = tpu.memref_squeeze %dma_wait3A_90 : memref<1x128xi32, #tpu.memory_space<vmem>> -> memref<128xi32, #tpu.memory_space<vmem>>
        %dma_wait3A_92 = arith.constant 0 : i32
        %dma_wait3A_93 = arith.constant 0 : i32
        %dma_wait3A_94 = tpu.memref_slice %arg8[%dma_wait3A_92, %dma_wait3A_93] : memref<40016x32xf32, #tpu.memory_space<vmem_shared>> -> memref<40016x32xf32, #tpu.memory_space<vmem_shared>>
        tpu.wait_indirect_dma semaphore(%run_scoped3A_78 : memref<!tpu.dma_semaphore, #tpu.memory_space<semaphore_mem>>) src(%dma_wait3A_88 : memref<128x32xf32, #tpu.memory_space<vmem>>) dst(%dma_wait3A_94 : memref<40016x32xf32, #tpu.memory_space<vmem_shared>>)
        tpu.yield
      }) : () -> ()
      %run_scoped3A_73 = arith.constant 1 : i32
      "tpu.region"() ({
        %run_scoped3A_78 = tpu.sem_alloc : memref<!tpu.dma_semaphore, #tpu.memory_space<semaphore_mem>>
        %dma_start3A = arith.constant 128 : i32
        %dma_start3A_79 = arith.constant 0 : i32
        %dma_start3A_80 = tpu.memref_slice %arg6[%dma_start3A, %dma_start3A_79] : memref<768x32xf32, #tpu.memory_space<vmem>> -> memref<128x32xf32, #tpu.memory_space<vmem>>
        %dma_start3A_81 = arith.constant 0 : i32
        %dma_start3A_82 = tpu.memref_slice %arg7[%run_scoped3A_73, %dma_start3A_81] : memref<6x128xi32, #tpu.memory_space<vmem>> -> memref<1x128xi32, #tpu.memory_space<vmem>>
        %dma_start3A_83 = tpu.memref_squeeze %dma_start3A_82 : memref<1x128xi32, #tpu.memory_space<vmem>> -> memref<128xi32, #tpu.memory_space<vmem>>
        %dma_start3A_84 = arith.constant 0 : i32
        %dma_start3A_85 = arith.constant 0 : i32
        %dma_start3A_86 = tpu.memref_slice %arg8[%dma_start3A_84, %dma_start3A_85] : memref<40016x32xf32, #tpu.memory_space<vmem_shared>> -> memref<40016x32xf32, #tpu.memory_space<vmem_shared>>
        tpu.enqueue_indirect_dma source(%dma_start3A_80 : memref<128x32xf32, #tpu.memory_space<vmem>>) target(%dma_start3A_86 : memref<40016x32xf32, #tpu.memory_space<vmem_shared>>) offsets(%dma_start3A_83 : memref<128xi32, #tpu.memory_space<vmem>>) semaphore(%run_scoped3A_78 : memref<!tpu.dma_semaphore, #tpu.memory_space<semaphore_mem>>) {add = true}
        %dma_wait3A = arith.constant 128 : i32
        %dma_wait3A_87 = arith.constant 0 : i32
        %dma_wait3A_88 = tpu.memref_slice %arg6[%dma_wait3A, %dma_wait3A_87] : memref<768x32xf32, #tpu.memory_space<vmem>> -> memref<128x32xf32, #tpu.memory_space<vmem>>
        %dma_wait3A_89 = arith.constant 0 : i32
        %dma_wait3A_90 = tpu.memref_slice %arg7[%run_scoped3A_73, %dma_wait3A_89] : memref<6x128xi32, #tpu.memory_space<vmem>> -> memref<1x128xi32, #tpu.memory_space<vmem>>
        %dma_wait3A_91 = tpu.memref_squeeze %dma_wait3A_90 : memref<1x128xi32, #tpu.memory_space<vmem>> -> memref<128xi32, #tpu.memory_space<vmem>>
        %dma_wait3A_92 = arith.constant 0 : i32
        %dma_wait3A_93 = arith.constant 0 : i32
        %dma_wait3A_94 = tpu.memref_slice %arg8[%dma_wait3A_92, %dma_wait3A_93] : memref<40016x32xf32, #tpu.memory_space<vmem_shared>> -> memref<40016x32xf32, #tpu.memory_space<vmem_shared>>
        tpu.wait_indirect_dma semaphore(%run_scoped3A_78 : memref<!tpu.dma_semaphore, #tpu.memory_space<semaphore_mem>>) src(%dma_wait3A_88 : memref<128x32xf32, #tpu.memory_space<vmem>>) dst(%dma_wait3A_94 : memref<40016x32xf32, #tpu.memory_space<vmem_shared>>)
        tpu.yield
      }) : () -> ()
      %run_scoped3A_74 = arith.constant 2 : i32
      "tpu.region"() ({
        %run_scoped3A_78 = tpu.sem_alloc : memref<!tpu.dma_semaphore, #tpu.memory_space<semaphore_mem>>
        %dma_start3A = arith.constant 256 : i32
        %dma_start3A_79 = arith.constant 0 : i32
        %dma_start3A_80 = tpu.memref_slice %arg6[%dma_start3A, %dma_start3A_79] : memref<768x32xf32, #tpu.memory_space<vmem>> -> memref<128x32xf32, #tpu.memory_space<vmem>>
        %dma_start3A_81 = arith.constant 0 : i32
        %dma_start3A_82 = tpu.memref_slice %arg7[%run_scoped3A_74, %dma_start3A_81] : memref<6x128xi32, #tpu.memory_space<vmem>> -> memref<1x128xi32, #tpu.memory_space<vmem>>
        %dma_start3A_83 = tpu.memref_squeeze %dma_start3A_82 : memref<1x128xi32, #tpu.memory_space<vmem>> -> memref<128xi32, #tpu.memory_space<vmem>>
        %dma_start3A_84 = arith.constant 0 : i32
        %dma_start3A_85 = arith.constant 0 : i32
        %dma_start3A_86 = tpu.memref_slice %arg8[%dma_start3A_84, %dma_start3A_85] : memref<40016x32xf32, #tpu.memory_space<vmem_shared>> -> memref<40016x32xf32, #tpu.memory_space<vmem_shared>>
        tpu.enqueue_indirect_dma source(%dma_start3A_80 : memref<128x32xf32, #tpu.memory_space<vmem>>) target(%dma_start3A_86 : memref<40016x32xf32, #tpu.memory_space<vmem_shared>>) offsets(%dma_start3A_83 : memref<128xi32, #tpu.memory_space<vmem>>) semaphore(%run_scoped3A_78 : memref<!tpu.dma_semaphore, #tpu.memory_space<semaphore_mem>>) {add = true}
        %dma_wait3A = arith.constant 256 : i32
        %dma_wait3A_87 = arith.constant 0 : i32
        %dma_wait3A_88 = tpu.memref_slice %arg6[%dma_wait3A, %dma_wait3A_87] : memref<768x32xf32, #tpu.memory_space<vmem>> -> memref<128x32xf32, #tpu.memory_space<vmem>>
        %dma_wait3A_89 = arith.constant 0 : i32
        %dma_wait3A_90 = tpu.memref_slice %arg7[%run_scoped3A_74, %dma_wait3A_89] : memref<6x128xi32, #tpu.memory_space<vmem>> -> memref<1x128xi32, #tpu.memory_space<vmem>>
        %dma_wait3A_91 = tpu.memref_squeeze %dma_wait3A_90 : memref<1x128xi32, #tpu.memory_space<vmem>> -> memref<128xi32, #tpu.memory_space<vmem>>
        %dma_wait3A_92 = arith.constant 0 : i32
        %dma_wait3A_93 = arith.constant 0 : i32
        %dma_wait3A_94 = tpu.memref_slice %arg8[%dma_wait3A_92, %dma_wait3A_93] : memref<40016x32xf32, #tpu.memory_space<vmem_shared>> -> memref<40016x32xf32, #tpu.memory_space<vmem_shared>>
        tpu.wait_indirect_dma semaphore(%run_scoped3A_78 : memref<!tpu.dma_semaphore, #tpu.memory_space<semaphore_mem>>) src(%dma_wait3A_88 : memref<128x32xf32, #tpu.memory_space<vmem>>) dst(%dma_wait3A_94 : memref<40016x32xf32, #tpu.memory_space<vmem_shared>>)
        tpu.yield
      }) : () -> ()
      %run_scoped3A_75 = arith.constant 3 : i32
      "tpu.region"() ({
        %run_scoped3A_78 = tpu.sem_alloc : memref<!tpu.dma_semaphore, #tpu.memory_space<semaphore_mem>>
        %dma_start3A = arith.constant 384 : i32
        %dma_start3A_79 = arith.constant 0 : i32
        %dma_start3A_80 = tpu.memref_slice %arg6[%dma_start3A, %dma_start3A_79] : memref<768x32xf32, #tpu.memory_space<vmem>> -> memref<128x32xf32, #tpu.memory_space<vmem>>
        %dma_start3A_81 = arith.constant 0 : i32
        %dma_start3A_82 = tpu.memref_slice %arg7[%run_scoped3A_75, %dma_start3A_81] : memref<6x128xi32, #tpu.memory_space<vmem>> -> memref<1x128xi32, #tpu.memory_space<vmem>>
        %dma_start3A_83 = tpu.memref_squeeze %dma_start3A_82 : memref<1x128xi32, #tpu.memory_space<vmem>> -> memref<128xi32, #tpu.memory_space<vmem>>
        %dma_start3A_84 = arith.constant 0 : i32
        %dma_start3A_85 = arith.constant 0 : i32
        %dma_start3A_86 = tpu.memref_slice %arg8[%dma_start3A_84, %dma_start3A_85] : memref<40016x32xf32, #tpu.memory_space<vmem_shared>> -> memref<40016x32xf32, #tpu.memory_space<vmem_shared>>
        tpu.enqueue_indirect_dma source(%dma_start3A_80 : memref<128x32xf32, #tpu.memory_space<vmem>>) target(%dma_start3A_86 : memref<40016x32xf32, #tpu.memory_space<vmem_shared>>) offsets(%dma_start3A_83 : memref<128xi32, #tpu.memory_space<vmem>>) semaphore(%run_scoped3A_78 : memref<!tpu.dma_semaphore, #tpu.memory_space<semaphore_mem>>) {add = true}
        %dma_wait3A = arith.constant 384 : i32
        %dma_wait3A_87 = arith.constant 0 : i32
        %dma_wait3A_88 = tpu.memref_slice %arg6[%dma_wait3A, %dma_wait3A_87] : memref<768x32xf32, #tpu.memory_space<vmem>> -> memref<128x32xf32, #tpu.memory_space<vmem>>
        %dma_wait3A_89 = arith.constant 0 : i32
        %dma_wait3A_90 = tpu.memref_slice %arg7[%run_scoped3A_75, %dma_wait3A_89] : memref<6x128xi32, #tpu.memory_space<vmem>> -> memref<1x128xi32, #tpu.memory_space<vmem>>
        %dma_wait3A_91 = tpu.memref_squeeze %dma_wait3A_90 : memref<1x128xi32, #tpu.memory_space<vmem>> -> memref<128xi32, #tpu.memory_space<vmem>>
        %dma_wait3A_92 = arith.constant 0 : i32
        %dma_wait3A_93 = arith.constant 0 : i32
        %dma_wait3A_94 = tpu.memref_slice %arg8[%dma_wait3A_92, %dma_wait3A_93] : memref<40016x32xf32, #tpu.memory_space<vmem_shared>> -> memref<40016x32xf32, #tpu.memory_space<vmem_shared>>
        tpu.wait_indirect_dma semaphore(%run_scoped3A_78 : memref<!tpu.dma_semaphore, #tpu.memory_space<semaphore_mem>>) src(%dma_wait3A_88 : memref<128x32xf32, #tpu.memory_space<vmem>>) dst(%dma_wait3A_94 : memref<40016x32xf32, #tpu.memory_space<vmem_shared>>)
        tpu.yield
      }) : () -> ()
      %run_scoped3A_76 = arith.constant 4 : i32
      "tpu.region"() ({
        %run_scoped3A_78 = tpu.sem_alloc : memref<!tpu.dma_semaphore, #tpu.memory_space<semaphore_mem>>
        %dma_start3A = arith.constant 512 : i32
        %dma_start3A_79 = arith.constant 0 : i32
        %dma_start3A_80 = tpu.memref_slice %arg6[%dma_start3A, %dma_start3A_79] : memref<768x32xf32, #tpu.memory_space<vmem>> -> memref<128x32xf32, #tpu.memory_space<vmem>>
        %dma_start3A_81 = arith.constant 0 : i32
        %dma_start3A_82 = tpu.memref_slice %arg7[%run_scoped3A_76, %dma_start3A_81] : memref<6x128xi32, #tpu.memory_space<vmem>> -> memref<1x128xi32, #tpu.memory_space<vmem>>
        %dma_start3A_83 = tpu.memref_squeeze %dma_start3A_82 : memref<1x128xi32, #tpu.memory_space<vmem>> -> memref<128xi32, #tpu.memory_space<vmem>>
        %dma_start3A_84 = arith.constant 0 : i32
        %dma_start3A_85 = arith.constant 0 : i32
        %dma_start3A_86 = tpu.memref_slice %arg8[%dma_start3A_84, %dma_start3A_85] : memref<40016x32xf32, #tpu.memory_space<vmem_shared>> -> memref<40016x32xf32, #tpu.memory_space<vmem_shared>>
        tpu.enqueue_indirect_dma source(%dma_start3A_80 : memref<128x32xf32, #tpu.memory_space<vmem>>) target(%dma_start3A_86 : memref<40016x32xf32, #tpu.memory_space<vmem_shared>>) offsets(%dma_start3A_83 : memref<128xi32, #tpu.memory_space<vmem>>) semaphore(%run_scoped3A_78 : memref<!tpu.dma_semaphore, #tpu.memory_space<semaphore_mem>>) {add = true}
        %dma_wait3A = arith.constant 512 : i32
        %dma_wait3A_87 = arith.constant 0 : i32
        %dma_wait3A_88 = tpu.memref_slice %arg6[%dma_wait3A, %dma_wait3A_87] : memref<768x32xf32, #tpu.memory_space<vmem>> -> memref<128x32xf32, #tpu.memory_space<vmem>>
        %dma_wait3A_89 = arith.constant 0 : i32
        %dma_wait3A_90 = tpu.memref_slice %arg7[%run_scoped3A_76, %dma_wait3A_89] : memref<6x128xi32, #tpu.memory_space<vmem>> -> memref<1x128xi32, #tpu.memory_space<vmem>>
        %dma_wait3A_91 = tpu.memref_squeeze %dma_wait3A_90 : memref<1x128xi32, #tpu.memory_space<vmem>> -> memref<128xi32, #tpu.memory_space<vmem>>
        %dma_wait3A_92 = arith.constant 0 : i32
        %dma_wait3A_93 = arith.constant 0 : i32
        %dma_wait3A_94 = tpu.memref_slice %arg8[%dma_wait3A_92, %dma_wait3A_93] : memref<40016x32xf32, #tpu.memory_space<vmem_shared>> -> memref<40016x32xf32, #tpu.memory_space<vmem_shared>>
        tpu.wait_indirect_dma semaphore(%run_scoped3A_78 : memref<!tpu.dma_semaphore, #tpu.memory_space<semaphore_mem>>) src(%dma_wait3A_88 : memref<128x32xf32, #tpu.memory_space<vmem>>) dst(%dma_wait3A_94 : memref<40016x32xf32, #tpu.memory_space<vmem_shared>>)
        tpu.yield
      }) : () -> ()
      %run_scoped3A_77 = arith.constant 5 : i32
      "tpu.region"() ({
        %run_scoped3A_78 = tpu.sem_alloc : memref<!tpu.dma_semaphore, #tpu.memory_space<semaphore_mem>>
        %dma_start3A = arith.constant 640 : i32
        %dma_start3A_79 = arith.constant 0 : i32
        %dma_start3A_80 = tpu.memref_slice %arg6[%dma_start3A, %dma_start3A_79] : memref<768x32xf32, #tpu.memory_space<vmem>> -> memref<128x32xf32, #tpu.memory_space<vmem>>
        %dma_start3A_81 = arith.constant 0 : i32
        %dma_start3A_82 = tpu.memref_slice %arg7[%run_scoped3A_77, %dma_start3A_81] : memref<6x128xi32, #tpu.memory_space<vmem>> -> memref<1x128xi32, #tpu.memory_space<vmem>>
        %dma_start3A_83 = tpu.memref_squeeze %dma_start3A_82 : memref<1x128xi32, #tpu.memory_space<vmem>> -> memref<128xi32, #tpu.memory_space<vmem>>
        %dma_start3A_84 = arith.constant 0 : i32
        %dma_start3A_85 = arith.constant 0 : i32
        %dma_start3A_86 = tpu.memref_slice %arg8[%dma_start3A_84, %dma_start3A_85] : memref<40016x32xf32, #tpu.memory_space<vmem_shared>> -> memref<40016x32xf32, #tpu.memory_space<vmem_shared>>
        tpu.enqueue_indirect_dma source(%dma_start3A_80 : memref<128x32xf32, #tpu.memory_space<vmem>>) target(%dma_start3A_86 : memref<40016x32xf32, #tpu.memory_space<vmem_shared>>) offsets(%dma_start3A_83 : memref<128xi32, #tpu.memory_space<vmem>>) semaphore(%run_scoped3A_78 : memref<!tpu.dma_semaphore, #tpu.memory_space<semaphore_mem>>) {add = true}
        %dma_wait3A = arith.constant 640 : i32
        %dma_wait3A_87 = arith.constant 0 : i32
        %dma_wait3A_88 = tpu.memref_slice %arg6[%dma_wait3A, %dma_wait3A_87] : memref<768x32xf32, #tpu.memory_space<vmem>> -> memref<128x32xf32, #tpu.memory_space<vmem>>
        %dma_wait3A_89 = arith.constant 0 : i32
        %dma_wait3A_90 = tpu.memref_slice %arg7[%run_scoped3A_77, %dma_wait3A_89] : memref<6x128xi32, #tpu.memory_space<vmem>> -> memref<1x128xi32, #tpu.memory_space<vmem>>
        %dma_wait3A_91 = tpu.memref_squeeze %dma_wait3A_90 : memref<1x128xi32, #tpu.memory_space<vmem>> -> memref<128xi32, #tpu.memory_space<vmem>>
        %dma_wait3A_92 = arith.constant 0 : i32
        %dma_wait3A_93 = arith.constant 0 : i32
        %dma_wait3A_94 = tpu.memref_slice %arg8[%dma_wait3A_92, %dma_wait3A_93] : memref<40016x32xf32, #tpu.memory_space<vmem_shared>> -> memref<40016x32xf32, #tpu.memory_space<vmem_shared>>
        tpu.wait_indirect_dma semaphore(%run_scoped3A_78 : memref<!tpu.dma_semaphore, #tpu.memory_space<semaphore_mem>>) src(%dma_wait3A_88 : memref<128x32xf32, #tpu.memory_space<vmem>>) dst(%dma_wait3A_94 : memref<40016x32xf32, #tpu.memory_space<vmem_shared>>)
        tpu.yield
      }) : () -> ()
    }
    %barrier3A_40 = arith.constant 0 : index
    tpu.barrier barrier_id(%barrier3A_40)
    %mul3A_41 = arith.constant 2500 : i32
    %mul3A_42 = arith.muli %arg1, %mul3A_41 : i32
    %run_scoped3A_43 = arith.constant 1 : i32
    "tpu.region"() ({
      %run_scoped3A_45 = tpu.sem_alloc : memref<!tpu.dma_semaphore, #tpu.memory_space<semaphore_mem>>
      %dma_start3A = arith.constant 0 : i32
      %dma_start3A_46 = tpu.memref_slice %arg5[%arg0, %run_scoped3A_43, %mul3A_42, %dma_start3A] : memref<2x2x40000x32xf32, #tpu.memory_space<hbm>> -> memref<1x1x2500x32xf32, #tpu.memory_space<hbm>>
      %dma_start3A_47 = tpu.memref_squeeze %dma_start3A_46 : memref<1x1x2500x32xf32, #tpu.memory_space<hbm>> -> memref<2500x32xf32, #tpu.memory_space<hbm>>
      %dma_start3A_48 = arith.constant 0 : i32
      %dma_start3A_49 = tpu.memref_slice %arg8[%mul3A_42, %dma_start3A_48] : memref<40016x32xf32, #tpu.memory_space<vmem_shared>> -> memref<2500x32xf32, #tpu.memory_space<vmem_shared>>
      tpu.enqueue_dma source(%dma_start3A_49 : memref<2500x32xf32, #tpu.memory_space<vmem_shared>>) target(%dma_start3A_47 : memref<2500x32xf32, #tpu.memory_space<hbm>>) target_semaphore(%run_scoped3A_45 : memref<!tpu.dma_semaphore, #tpu.memory_space<semaphore_mem>>)
      %dma_wait3A = arith.constant 0 : i32
      %dma_wait3A_50 = tpu.memref_slice %arg5[%arg0, %run_scoped3A_43, %mul3A_42, %dma_wait3A] : memref<2x2x40000x32xf32, #tpu.memory_space<hbm>> -> memref<1x1x2500x32xf32, #tpu.memory_space<hbm>>
      %dma_wait3A_51 = tpu.memref_squeeze %dma_wait3A_50 : memref<1x1x2500x32xf32, #tpu.memory_space<hbm>> -> memref<2500x32xf32, #tpu.memory_space<hbm>>
      %dma_wait3A_52 = arith.constant 0 : i32
      %dma_wait3A_53 = tpu.memref_slice %arg8[%mul3A_42, %dma_wait3A_52] : memref<40016x32xf32, #tpu.memory_space<vmem_shared>> -> memref<2500x32xf32, #tpu.memory_space<vmem_shared>>
      tpu.wait_dma2 semaphore(%run_scoped3A_45 : memref<!tpu.dma_semaphore, #tpu.memory_space<semaphore_mem>>) src(%dma_wait3A_53 : memref<2500x32xf32, #tpu.memory_space<vmem_shared>>) dst(%dma_wait3A_51 : memref<2500x32xf32, #tpu.memory_space<hbm>>)
      tpu.yield
    }) : () -> ()
    %barrier3A_44 = arith.constant 0 : index
    tpu.barrier barrier_id(%barrier3A_44)
    return
  }
}

</mosaic_0001>

<sc_bundles>
// kernel: kernel.3.cloned.1.call-start
scs
__scs_entry_jumppad:
0x0: {  	(pc) =	sbr.rel $0x88, $3  }
0x1: {  	(tag) =	ssettag $0x0;
	lr =	simm.s32 $0x1  }
0x2: {  	[smem:$0x3F9E] =	sst lr;
	_ =	strace $0xD0000000  }
0x3: {  	_ = 	snop  }
0x4: {  	_ = 	snop  }
0x5: {  	_ = 	snop  }
0x6: {  	_ = 	snop  }
0x7: {  	_ = 	snop  }
__scs_overlays_trampoline_lowered:
0x8: {  	[smem:$0x3FAD] =	sst s0  }
0x9: {  	[smem:$0x3FAE] =	sst s1  }
0xa: {  	[smem:$0x3FAF] =	sst s2  }
0xb: {  	[smem:$0x3FB0] =	sst s3  }
0xc: {  	[smem:$0x3FB1] =	sst s4  }
0xd: {  	[smem:$0x3FB2] =	sst s5  }
0xe: {  	[smem:$0x3FB3] =	sst s6  }
0xf: {  	[smem:$0x3FB4] =	sst s7  }
0x10: {  	[smem:$0x3FB5] =	sst s8  }
0x11: {  	[smem:$0x3FB6] =	sst s9;
	s0 =	simm.s32 @!p0 $0x0  }
0x12: {  	s1 =	sld [smem:$0x3F9C];
	s0 =	simm.s32 @p0 $0x1  }
0x13: {  	[smem:$0x3FB7] =	sst s0;
	s0 =	simm.s32 @!p1 $0x0  }
0x14: {  	s2 =	sld [smem:$0x3F9B];
	s0 =	simm.s32 @p1 $0x1  }
0x15: {  	[smem:$0x3FB8] =	sst s0;
	s0 =	simm.s32 @!p2 $0x0  }
0x16: {  	s3 =	sld [smem:$0x3FDB];
	s0 =	simm.s32 @p2 $0x1  }
0x17: {  	s4 =	simm.s32 $0x1BF5;
	[smem:$0x3FBA] =	sst s0  }
0x18: {  	s0 =	sld [smem:$0x3F9D];
	_ =	swait.ge [sflag:s4], $0x0  }
0x19: {  	s7 =	sld [smem:$0x3F9E]  }
0x1a: {  	s8 =	sadd.s32 $0xFFFFE003, lr  }
0x1b: {  	s9 =	sadd.s32 $0xFFFFFEF7, lr;
	s5 =	simm.s32 $0xFFFFFFFF;
	p2 =	slt.u32 s8, $0xFFFFF086  }
0x1c: {  	p1 =	slt.u32 s9, $0xF7A;
	s5 =	simm.s32 @!p2 $0x0  }
0x1d: {  	s5 =	simm.s32 @p1 $0x1;
	p0 =	seq.s32 s7, s2  }
0x1e: {  	s7 =	smul.u32 @!p0 $0xF7A, s2;
	p2 =	seq.s32 @!p0 s5, $0x0  }
0x1f: {  	s9 =	smul.u32 $0xF7A, s1;
	s8 =	simm.s32 @!p0 $0x1BF5;
	p2 =	por !p2, p0  }
0x20: {  	[sflag:s8] =	ssyncset.s32 @!p0 $0xFFFFF086;
	s6 =	sadd.s32 @!p0 s3, s7;
	s7 =	simm.s32 @!p0 $0x108  }
0x21: {  	s3 =	sadd.s32 s3, s9;
	s6 =	sadd.s32 @!p0 $0x88, s6;
	s7 =	simm.s32 @p2 $0x1082  }
0x22: {  	[simem:s7], [sflag:s8] =	dma.local @!p0 [hbm:s6], $0xF7A  }
0x23: {  	s9 =	sor.u32 $0xD0000000, s2;
	s6 =	simm.s32 $0x108;
	_ =	swait.ge @!p0 [sflag:s8], $0x0  }
0x24: {  	s3 =	sadd.s32 $0x88, s3;
	s6 =	simm.s32 @!p1 $0x1082;
	[sflag:s4] =	ssyncset.s32 $0xFFFFF086  }
0x25: {  	[simem:s6], [sflag:s4] =	dma.local [hbm:s3], $0xF7A  }
0x26: {  	[smem:$0x3F9E] =	sst s1;
	(tag) =	ssettag s2;
	_ =	strace s9  }
0x27: {  	s1 =	sld [smem:$0x3FAE]  }
0x28: {  	s2 =	sld [smem:$0x3FAF]  }
0x29: {  	s4 =	sld [smem:$0x3FB1]  }
0x2a: {  	p0 =	seq.s32 s5, $0x0;
	s5 =	sld [smem:$0x3FB2]  }
0x2b: {  	s6 =	sld [smem:$0x3FB3]  }
0x2c: {  	s7 =	sld [smem:$0x3FB4]  }
0x2d: {  	s3 =	simm.s32 $0x108;
	s8 =	sld [smem:$0x3FB5]  }
0x2e: {  	s3 =	simm.s32 @!p0 $0x1082;
	s9 =	sld [smem:$0x3FB6]  }
0x2f: {  	lr =	sadd.s32 s0, s3;
	s0 =	sld [smem:$0x3FAD]  }
0x30: {  	s3 =	sld [smem:$0x3FB0]  }
0x31: {  	[smem:$0x3FB9] =	sst s10  }
0x32: {  	s10 =	sld [smem:$0x3FB7];
	_ =	sdelay $0x3  }
0x33: {  	p0 =	seq.s32 s10, $0x1;
	s10 =	sld [smem:$0x3FB9];
	_ =	sdelay $0x3  }
0x34: {  	[smem:$0x3FB9] =	sst s10  }
0x35: {  	s10 =	sld [smem:$0x3FB8];
	_ =	sdelay $0x3  }
0x36: {  	p1 =	seq.s32 s10, $0x1;
	s10 =	sld [smem:$0x3FB9];
	_ =	sdelay $0x3  }
0x37: {  	[smem:$0x3FB9] =	sst s10  }
0x38: {  	s10 =	sld [smem:$0x3FBA]  }
0x39: {  	_ = 	snop;
	(pc) =	sbr.ind lr, $3  }
0x3a: {  	_ = 	snop  }
0x3b: {  	_ = 	snop  }
0x3c: {  	p2 =	seq.s32 s10, $0x1;
	s10 =	sld [smem:$0x3FB9]  }
0x3d: {  	_ =	shalt  }
0x3e: {  	_ =	shalt  }
0x3f: {  	_ =	shalt  }
0x40: {  	_ =	shalt  }
0x41: {  	_ =	shalt  }
0x42: {  	_ =	shalt  }
0x43: {  	_ =	shalt  }
0x44: {  	_ =	shalt  }
0x45: {  	_ =	shalt  }
0x46: {  	_ =	shalt  }
0x47: {  	_ =	shalt  }
0x48: {  	_ =	shalt  }
0x49: {  	_ =	shalt  }
0x4a: {  	_ =	shalt  }
0x4b: {  	_ =	shalt  }
0x4c: {  	_ =	shalt  }
0x4d: {  	_ =	shalt  }
0x4e: {  	_ =	shalt  }
0x4f: {  	_ =	shalt  }
0x50: {  	_ =	shalt  }
0x51: {  	_ =	shalt  }
0x52: {  	_ =	shalt  }
0x53: {  	_ =	shalt  }
0x54: {  	_ =	shalt  }
0x55: {  	_ =	shalt  }
0x56: {  	_ =	shalt  }
0x57: {  	_ =	shalt  }
0x58: {  	_ =	shalt  }
0x59: {  	_ =	shalt  }
0x5a: {  	_ =	shalt  }
0x5b: {  	_ =	shalt  }
0x5c: {  	_ =	shalt  }
0x5d: {  	_ =	shalt  }
0x5e: {  	_ =	shalt  }
0x5f: {  	_ =	shalt  }
0x60: {  	_ =	shalt  }
0x61: {  	_ =	shalt  }
0x62: {  	_ =	shalt  }
0x63: {  	_ =	shalt  }
0x64: {  	_ =	shalt  }
0x65: {  	_ =	shalt  }
0x66: {  	_ =	shalt  }
0x67: {  	_ =	shalt  }
0x68: {  	_ =	shalt  }
0x69: {  	_ =	shalt  }
0x6a: {  	_ =	shalt  }
0x6b: {  	_ =	shalt  }
0x6c: {  	_ =	shalt  }
0x6d: {  	_ =	shalt  }
0x6e: {  	_ =	shalt  }
0x6f: {  	_ =	shalt  }
0x70: {  	_ =	shalt  }
0x71: {  	_ =	shalt  }
0x72: {  	_ =	shalt  }
0x73: {  	_ =	shalt  }
0x74: {  	_ =	shalt  }
0x75: {  	_ =	shalt  }
0x76: {  	_ =	shalt  }
0x77: {  	_ =	shalt  }
0x78: {  	_ =	shalt  }
0x79: {  	_ =	shalt  }
0x7a: {  	_ =	shalt  }
0x7b: {  	_ =	shalt  }
0x7c: {  	_ =	shalt  }
0x7d: {  	_ =	shalt  }
0x7e: {  	_ =	shalt  }
0x7f: {  	_ =	shalt  }
0x80: {  	_ =	shalt  }
0x81: {  	_ =	shalt  }
0x82: {  	_ =	shalt  }
0x83: {  	_ =	shalt  }
0x84: {  	_ =	shalt  }
0x85: {  	_ =	shalt  }
0x86: {  	_ =	shalt  }
0x87: {  	_ =	shalt  }
.Lfunc_end0:
.L_simem_size_0:
called_computation.1_lowered:
.L_overlay_start_0:
0x88: {  	s2 =	sld [smem:$0x3FD9]  }
0x89: {  	s3 =	sld [smem:$0x3FFE];
	_ =	sdelay $0x1  }
0x8a: {  	s1 =	srdreg.scid  }
0x8b: {  	s0 =	sand.u32 $0x1, s1  }
0x8c: {  	s17 =	sshll.u32 s0, $0xA;
	s2 =	sadd.s32 s3, s2  }
0x8d: {  	s2 =	sadd.s32 s2, s17  }
0x8e: {  	[smem:$0x3FC5] =	sst s2  }
0x8f: {  	_ = 	snop  }
0x90: {  	s2 =	sld [smem:$0x3FD0];
	(tm) =	ssettm $0x1  }
0x91: {  	s18 =	sld [smem:$0x3FFB];
	_ =	sdelay $0x3  }
0x92: {  	_ =	strace s18  }
0x93: {  	s3 =	sld [smem:$0x3FFC];
	_ =	sdelay $0x3  }
0x94: {  	_ =	strace s3  }
0x95: {  	s3 =	sld [smem:$0x3FFD];
	_ =	sdelay $0x3  }
0x96: {  	_ =	strace s3  }
0x97: {  	_ =	strace $0x8FFFFFFF  }
0x98: {  	s19 =	sld [smem:$0x3FDB];
	_ =	sdelay $0x1  }
0x99: {  	s4 =	simm.s32 $_scs_section_size  }
0x9a: {  	s5 =	simm.s32 $_size__tile_overlayer_lowered;
	s6 =	simm.s32 $_tile_overlayer_lowered  }
0x9b: {  	s22 =	simm.s32 $0x1BFF;
	s21 =	sshll.u32 s6, $0x1;
	s3 =	sadd.s32 s4, s19  }
0x9c: {  	s7 =	simm.s32 $0x0;
	s20 =	sshll.u32 s5, $0x1;
	s5 =	sadd.s32 s21, s3  }
0x9d: {  	[timem:s7], [sflag:s22] =	dma.local [hbm:s5], s20  }
0x9e: {  	_ =	swait.ge [sflag:s22], s20  }
0x9f: {  	s4 =	ssub.s32 $0x0, s20;
	[sflag:s22] =	ssyncset.done $0x0  }
0xa0: {  	[sflag:s22] =	ssyncadd.s32 s4;
	_ =	sdelay $0x1  }
0xa1: {  	s23 =	simm.s32 $0x1B8B  }
0xa2: {  	_ =	swait.ge [sflag:s23], $0x1  }
0xa3: {  	[sflag:s23] =	ssyncset.done $0x0  }
0xa4: {  	s25 =	simm.s32 $0x1B8E;
	s24 =	sld [smem:$0x3FFE];
	[sflag:s23] =	ssyncadd.s32 $0xFFFFFFFF  }
0xa5: {  	s26 =	simm.s32 $execute0_lowered;
	[smem:$0x3FD2] =	sst s25  }
0xa6: {  	s5 =	sshll.u32 s26, $0x1;
	_ =	strace $0x80000049;
	[dreg:$0x1] =	wrdreg $0xFFFFFFFF  }
0xa7: {  	s28 =	simm.s32 $_size_execute0_lowered;
	s3 =	sadd.s32 s3, s5;
	[dreg:$0x0] =	wrdreg $0x0  }
0xa8: {  	s5 =	sshll.u32 s28, $0x1;
	[dreg:$0x2] =	wrdreg s3  }
0xa9: {  	[dreg:$0x3] =	wrdreg s5  }
0xaa: {  	[dreg:$0x4] =	wrdreg $0xC0  }
0xab: {  	_ =	task [dreg:s7], $0x5FFFF  }
0xac: {  	[dreg:$0x1] =	wrdreg $0xFFFFFFFF  }
0xad: {  	[dreg:$0x0] =	wrdreg $0x60  }
0xae: {  	[dreg:$0x2] =	wrdreg s24  }
0xaf: {  	[dreg:$0x3] =	wrdreg s2  }
0xb0: {  	[dreg:$0x4] =	wrdreg $0x63000  }
0xb1: {  	[dreg:$0x5] =	wrdreg $0x9  }
0xb2: {  	_ =	task.clear_ibuf [dreg:s7], $0x6FFFF;
	_ =	strace $0x90000049  }
0xb3: {  	s29 =	simm.s32 $0x9;
	_ =	strace $0x8000004B  }
0xb4: {  	_ =	swait.ge [sflag:s29], $0x1  }
0xb5: {  	[sflag:s29] =	ssyncadd.s32 $0xFFFFFFFF  }
0xb6: {  	_ =	strace $0x9000004B  }
0xb7: {  	_ =	sfence  }
0xb8: {  	s30 =	sld [smem:$0x0];
	_ =	sdelay $0x2  }
0xb9: {  	s31 =	sshll.u32 s1, $0xD;
	s1 =	sshrl.u32 s1, $0x2  }
0xba: {  	s3 =	sand.u32 $0x4000, s31;
	s1 =	sadd.s32 s1, s30  }
0xbb: {  	s0 =	sor.u32 s3, s0;
	s1 =	sshll.u32 s1, $0x11  }
0xbc: {  	s0 =	sor.u32 s1, s0  }
0xbd: {  	s0 =	sadd.s32 $0x8F2B, s0  }
0xbe: {  	[sflag:s0] =	ssyncadd.remote.s32 $0x1  }
0xbf: {  	_ =	sfence.sel $0xFFFF  }
0xc0: {  	[dreg:$0x0] =	wrdreg $0xFFFFFFFF;
	(pc) =	sbr.abs _section_cstart, $3  }
0xc1: {  	[dreg:$0x1] =	wrdreg $0xFFFFFFFF  }
0xc2: {  	_ =	task.clear_ibuf [dreg:s7], $0x2FFFF;
	_ =	strace $0x9FFFFFFF  }
0xc3: {  	(tm) =	ssettm $0x7FFFFFFF  }
tec
execute0_lowered:
.L_overlay_start_1:
0x0: {  	(tag) =	ssettag $0x1  }
0x1: {  	s0 =	rddreg [dreg:$0x0];
	s1 =	srdreg.scid  }
0x2: {  	s6 =	rddreg [dreg:$0x1];
	s12 =	stileid.u32  }
0x3: {  	s2 =	rddreg [dreg:$0x2];
	s3 =	simm.s32 $0x0;
	s5 =	smul.u32 $0xB000, s12  }
0x4: {  	s15 =	simm.s32 $0x1;
	s28 =	simm.s32 $0x4000;
	s8 =	smul.u32 $0x300, s12  }
0x5: {  	s29 =	simm.s32 $0x6280;
	s30 =	simm.s32 $0x5000;
	s17 =	smul.u32 $0x138A0, s12  }
0x6: {  	s31 =	simm.s32 $0x0;
	s1 =	sand.u32 $0x1, s1;
	s10 =	smul.u32 $0x13880, s12  }
0x7: {  	[smem:$0x7FF] =	sst s3;
	s22 =	sshll.u32 s12, $0x6;
	s4 =	smul.u32 $0xA92000, s1  }
0x8: {  	s24 =	ssub.s32 $0x105, s12;
	s7 =	smul.u32 $0x2E200, s1;
	_ =	strace $0x8000004A  }
0x9: {  	s19 =	smul.u32 $0x271000, s1;
	s1 =	ssub.s32 $0x2, s1;
	s20 =	sshrl.u32 s17, $0x3  }
0xa: {  	s21 =	sshrl.u32 s1, $0x1;
	s13 =	sadd.s32 s17, s2;
	s25 =	sadd.s32 s10, s2  }
0xb: {  	s17 =	simm.s32 $0x20;
	s4 =	sadd.s32 s5, s4;
	s16 =	sadd.s32 s8, s7  }
0xc: {  	s1 =	ssub.s32 s1, s21;
	s5 =	sadd.s32 s10, s19;
	s7 =	sshrl.u32 s24, $0x4  }
0xd: {  	[dreg:$0x4] =	wrdreg s25;
	s14 =	sshrl.u32 s13, $0x3;
	s19 =	simm.s32 $0x80  }
0xe: {  	s21 =	simm.s32 $0x1000;
	s24 =	simm.s32 $0x6180;
	s25 =	simm.s32 $0x3000  }
0xf: {  	s4 =	sshrl.u32 s4, $0x3;
	s18 =	sshrl.u32 s16, $0x3;
	s23 =	sshrl.u32 s5, $0x3  }
0x10: {  	s5 =	sor.u32 $0x1C01, s22;
	s10 =	smax.u32 s1, $0x1;
	s16 =	simm.s32 $0x6000  }
0x11: {  	s22 =	simm.s32 $0x6100;
	s9 =	sadd.s32 s4, s0;
	s11 =	sadd.s32 s18, s0  }
0x12: {  	s0 =	sadd.s32 s20, s0;
	s6 =	sadd.s32 s6, s23;
	s20 =	simm.s32 $0x6080  }
0x13: {  	s23 =	simm.s32 $0x2000;
	s4 =	sadd.s32 $0xE00, s0;
	s26 =	sadd.s32 $0x27100, s6  }
0x14: {  	s18 =	simm.s32 $0x40;
	s8 =	sadd.s32 $0x5C4E00, s11;
	s12 =	sadd.s32 $0x5D0800, s9  }
0x15: {  	s9 =	sadd.s32 $0x5D0804, s9;
	[dreg:$0x5] =	wrdreg s26;
	s26 =	simm.s32 $0x6200  }
.LBB2_1:
0x16: {  	[spmem:s14], [sflag:s5] =	dma.local [hbm:s4], $0x2714  }
0x17: {  	_ =	swait.ge [sflag:s15], $0x2714  }
0x18: {  	[sflag:s15] =	ssyncset.done $0x0  }
0x19: {  	[sflag:s15] =	ssyncadd.s32 $0xFFFFD8EC  }
0x1a: {  	[bflag:$0x0] =	sbarrier.arrive $0xFFFF  }
0x1b: {  	[tilespmem:s16], [sflag:$0x1] =	stream.linear.gather [hbm4b:s8+s3], $0x300, $0x38;
	[tilespmem:$0x19BA0] =	vst v63  }
0x1c: {  	_ =	swait.ge [sflag:s15], $0x300  }
0x1d: {  	[sflag:s15] =	ssyncset.done $0x0  }
0x1e: {  	[sflag:s15] =	ssyncadd.s32 $0xFFFFFD00  }
0x1f: {  	[tilespmem:s3], [sflag:$0x1] =	stream.strided.gather [hbm4b:s12+s17], $0x5800, s18, s17, $0x38;
	[tilespmem:$0x19BA0] =	vst v63  }
0x20: {  	_ =	swait.ge [sflag:s15], $0x5800  }
0x21: {  	[sflag:s15] =	ssyncset.done $0x0  }
0x22: {  	[sflag:s15] =	ssyncadd.s32 $0xFFFFA800  }
0x23: {  	[spmem:s2] =	stream.indirect.scatter.add.f32 [tilespmem:s3], [sflag:$0x1], $0x20, s16, s19, $0xb8;
	[tilespmem:$0x19BA0] =	vst v63  }
0x24: {  	_ =	swait.ge [sflag:s15], $0x1000  }
0x25: {  	[sflag:s15] =	ssyncset.done $0x0  }
0x26: {  	[sflag:s15] =	ssyncadd.s32 $0xFFFFF000  }
0x27: {  	[spmem:s2] =	stream.indirect.scatter.add.f32 [tilespmem:s21], [sflag:$0x1], $0x20, s20, s19, $0xb8;
	[tilespmem:$0x19BA0] =	vst v63  }
0x28: {  	_ =	swait.ge [sflag:s15], $0x1000  }
0x29: {  	[sflag:s15] =	ssyncset.done $0x0  }
0x2a: {  	[sflag:s15] =	ssyncadd.s32 $0xFFFFF000  }
0x2b: {  	[spmem:s2] =	stream.indirect.scatter.add.f32 [tilespmem:s23], [sflag:$0x1], $0x20, s22, s19, $0xb8;
	[tilespmem:$0x19BA0] =	vst v63  }
0x2c: {  	_ =	swait.ge [sflag:s15], $0x1000  }
0x2d: {  	[sflag:s15] =	ssyncset.done $0x0  }
0x2e: {  	[sflag:s15] =	ssyncadd.s32 $0xFFFFF000  }
0x2f: {  	[spmem:s2] =	stream.indirect.scatter.add.f32 [tilespmem:s25], [sflag:$0x1], $0x20, s24, s19, $0xb8;
	[tilespmem:$0x19BA0] =	vst v63  }
0x30: {  	_ =	swait.ge [sflag:s15], $0x1000  }
0x31: {  	[sflag:s15] =	ssyncset.done $0x0  }
0x32: {  	[sflag:s15] =	ssyncadd.s32 $0xFFFFF000  }
0x33: {  	[spmem:s2] =	stream.indirect.scatter.add.f32 [tilespmem:s28], [sflag:$0x1], $0x20, s26, s19, $0xb8;
	[tilespmem:$0x19BA0] =	vst v63  }
0x34: {  	p0 =	sne.s32 s7, $0x1;
	_ =	swait.ge [sflag:s15], $0x1000  }
.Ltmp0:
0x35: {  	[sflag:s15] =	ssyncset.done $0x0;
	(pc) =	sbr.rel @!p0 .LBB2_3-.Ltmp0, $4  }
0x36: {  	[sflag:s15] =	ssyncadd.s32 $0xFFFFF000  }
0x37: {  	[spmem:s2] =	stream.indirect.scatter.add.f32 [tilespmem:s30], [sflag:$0x1], $0x20, s29, s19, $0xb8;
	[tilespmem:$0x19BA0] =	vst v63  }
0x38: {  	s1 =	sadd.s32 $0xFFFFFFFF, s7;
	_ =	swait.ge [sflag:s15], $0x1000  }
0x39: {  	s0 =	smov.u32 s8;
	s11 =	smov.u32 s12;
	[sflag:s15] =	ssyncset.done $0x0  }
.LBB2_2:
0x3a: {  	[sflag:s15] =	ssyncadd.s32 $0xFFFFF000;
	s0 =	sadd.s32 $0x600, s0;
	s11 =	sadd.s32 $0x16000, s11  }
0x3b: {  	[tilespmem:s16], [sflag:$0x1] =	stream.linear.gather [hbm4b:s0+s3], $0x300, $0x38;
	[tilespmem:$0x19BA0] =	vst v63  }
0x3c: {  	p1 =	sne.s32 s1, $0x1;
	s1 =	sadd.s32 $0xFFFFFFFF, s1;
	_ =	swait.ge [sflag:s15], $0x300  }
0x3d: {  	[sflag:s15] =	ssyncset.done $0x0  }
0x3e: {  	[sflag:s15] =	ssyncadd.s32 $0xFFFFFD00  }
0x3f: {  	[tilespmem:s3], [sflag:$0x1] =	stream.strided.gather [hbm4b:s11+s17], $0x5800, s18, s17, $0x38;
	[tilespmem:$0x19BA0] =	vst v63  }
0x40: {  	_ =	swait.ge [sflag:s15], $0x5800  }
0x41: {  	[sflag:s15] =	ssyncset.done $0x0  }
0x42: {  	[sflag:s15] =	ssyncadd.s32 $0xFFFFA800  }
0x43: {  	[spmem:s2] =	stream.indirect.scatter.add.f32 [tilespmem:s3], [sflag:$0x1], $0x20, s16, s19, $0xb8;
	[tilespmem:$0x19BA0] =	vst v63  }
0x44: {  	_ =	swait.ge [sflag:s15], $0x1000  }
0x45: {  	[sflag:s15] =	ssyncset.done $0x0  }
0x46: {  	[sflag:s15] =	ssyncadd.s32 $0xFFFFF000  }
0x47: {  	[spmem:s2] =	stream.indirect.scatter.add.f32 [tilespmem:s21], [sflag:$0x1], $0x20, s20, s19, $0xb8;
	[tilespmem:$0x19BA0] =	vst v63  }
0x48: {  	_ =	swait.ge [sflag:s15], $0x1000  }
0x49: {  	[sflag:s15] =	ssyncset.done $0x0  }
0x4a: {  	[sflag:s15] =	ssyncadd.s32 $0xFFFFF000  }
0x4b: {  	[spmem:s2] =	stream.indirect.scatter.add.f32 [tilespmem:s23], [sflag:$0x1], $0x20, s22, s19, $0xb8;
	[tilespmem:$0x19BA0] =	vst v63  }
0x4c: {  	_ =	swait.ge [sflag:s15], $0x1000  }
0x4d: {  	[sflag:s15] =	ssyncset.done $0x0  }
0x4e: {  	[sflag:s15] =	ssyncadd.s32 $0xFFFFF000  }
0x4f: {  	[spmem:s2] =	stream.indirect.scatter.add.f32 [tilespmem:s25], [sflag:$0x1], $0x20, s24, s19, $0xb8;
	[tilespmem:$0x19BA0] =	vst v63  }
0x50: {  	_ =	swait.ge [sflag:s15], $0x1000  }
0x51: {  	[sflag:s15] =	ssyncset.done $0x0  }
0x52: {  	[sflag:s15] =	ssyncadd.s32 $0xFFFFF000  }
0x53: {  	[spmem:s2] =	stream.indirect.scatter.add.f32 [tilespmem:s28], [sflag:$0x1], $0x20, s26, s19, $0xb8;
	[tilespmem:$0x19BA0] =	vst v63  }
0x54: {  	_ =	swait.ge [sflag:s15], $0x1000  }
.Ltmp1:
0x55: {  	[sflag:s15] =	ssyncset.done $0x0;
	(pc) =	sbr.rel @p1 .LBB2_2-.Ltmp1, $4  }
0x56: {  	[sflag:s15] =	ssyncadd.s32 $0xFFFFF000  }
0x57: {  	[spmem:s2] =	stream.indirect.scatter.add.f32 [tilespmem:s30], [sflag:$0x1], $0x20, s29, s19, $0xb8;
	[tilespmem:$0x19BA0] =	vst v63  }
0x58: {  	_ =	swait.ge [sflag:s15], $0x1000  }
0x59: {  	[sflag:s15] =	ssyncset.done $0x0  }
.LBB2_3:
0x5a: {  	[sflag:s15] =	ssyncadd.s32 $0xFFFFF000  }
0x5b: {  	[bflag:$0x0] =	sbarrier.arrive $0xFFFF  }
0x5c: {  	s0 =	rddreg [dreg:$0x4]  }
0x5d: {  	s1 =	sshrl.u32 s0, $0x3  }
0x5e: {  	[hbm:s6], [sflag:s5] =	dma.local [spmem:s1], $0x2710  }
0x5f: {  	_ =	swait.ge [sflag:s15], $0x2710  }
0x60: {  	[sflag:s15] =	ssyncset.done $0x0  }
0x61: {  	[sflag:s15] =	ssyncadd.s32 $0xFFFFD8F0  }
0x62: {  	[bflag:$0x0] =	sbarrier.arrive $0xFFFF  }
0x63: {  	[spmem:s14], [sflag:s5] =	dma.local [hbm:s4], $0x2714  }
0x64: {  	_ =	swait.ge [sflag:s15], $0x2714  }
0x65: {  	[sflag:s15] =	ssyncset.done $0x0  }
0x66: {  	[sflag:s15] =	ssyncadd.s32 $0xFFFFD8EC  }
0x67: {  	[bflag:$0x0] =	sbarrier.arrive $0xFFFF  }
0x68: {  	[tilespmem:s16], [sflag:$0x1] =	stream.linear.gather [hbm4b:s8+s3], $0x300, $0x38;
	[tilespmem:$0x19BA0] =	vst v63  }
0x69: {  	_ =	swait.ge [sflag:s15], $0x300  }
0x6a: {  	[sflag:s15] =	ssyncset.done $0x0  }
0x6b: {  	[sflag:s15] =	ssyncadd.s32 $0xFFFFFD00  }
0x6c: {  	[tilespmem:s3], [sflag:$0x1] =	stream.strided.gather [hbm4b:s9+s17], $0x5800, s18, s17, $0x38;
	[tilespmem:$0x19BA0] =	vst v63  }
0x6d: {  	_ =	swait.ge [sflag:s15], $0x5800  }
0x6e: {  	[sflag:s15] =	ssyncset.done $0x0  }
0x6f: {  	[sflag:s15] =	ssyncadd.s32 $0xFFFFA800  }
0x70: {  	[spmem:s2] =	stream.indirect.scatter.add.f32 [tilespmem:s3], [sflag:$0x1], $0x20, s16, s19, $0xb8;
	[tilespmem:$0x19BA0] =	vst v63  }
0x71: {  	_ =	swait.ge [sflag:s15], $0x1000  }
0x72: {  	[sflag:s15] =	ssyncset.done $0x0  }
0x73: {  	[sflag:s15] =	ssyncadd.s32 $0xFFFFF000  }
0x74: {  	[spmem:s2] =	stream.indirect.scatter.add.f32 [tilespmem:s21], [sflag:$0x1], $0x20, s20, s19, $0xb8;
	[tilespmem:$0x19BA0] =	vst v63  }
0x75: {  	_ =	swait.ge [sflag:s15], $0x1000  }
0x76: {  	[sflag:s15] =	ssyncset.done $0x0  }
0x77: {  	[sflag:s15] =	ssyncadd.s32 $0xFFFFF000  }
0x78: {  	[spmem:s2] =	stream.indirect.scatter.add.f32 [tilespmem:s23], [sflag:$0x1], $0x20, s22, s19, $0xb8;
	[tilespmem:$0x19BA0] =	vst v63  }
0x79: {  	_ =	swait.ge [sflag:s15], $0x1000  }
0x7a: {  	[sflag:s15] =	ssyncset.done $0x0  }
0x7b: {  	[sflag:s15] =	ssyncadd.s32 $0xFFFFF000  }
0x7c: {  	[spmem:s2] =	stream.indirect.scatter.add.f32 [tilespmem:s25], [sflag:$0x1], $0x20, s24, s19, $0xb8;
	[tilespmem:$0x19BA0] =	vst v63  }
0x7d: {  	_ =	swait.ge [sflag:s15], $0x1000  }
0x7e: {  	[sflag:s15] =	ssyncset.done $0x0  }
0x7f: {  	[sflag:s15] =	ssyncadd.s32 $0xFFFFF000  }
0x80: {  	[spmem:s2] =	stream.indirect.scatter.add.f32 [tilespmem:s28], [sflag:$0x1], $0x20, s26, s19, $0xb8;
	[tilespmem:$0x19BA0] =	vst v63  }
0x81: {  	_ =	swait.ge [sflag:s15], $0x1000  }
.Ltmp2:
0x82: {  	[sflag:s15] =	ssyncset.done $0x0;
	(pc) =	sbr.rel @!p0 .LBB2_5-.Ltmp2, $4  }
0x83: {  	[sflag:s15] =	ssyncadd.s32 $0xFFFFF000  }
0x84: {  	[spmem:s2] =	stream.indirect.scatter.add.f32 [tilespmem:s30], [sflag:$0x1], $0x20, s29, s19, $0xb8;
	[tilespmem:$0x19BA0] =	vst v63  }
0x85: {  	s11 =	smov.u32 s8;
	_ =	swait.ge [sflag:s15], $0x1000  }
0x86: {  	s13 =	smov.u32 s9;
	s0 =	sadd.s32 $0xFFFFFFFF, s7;
	[sflag:s15] =	ssyncset.done $0x0  }
.LBB2_4:
0x87: {  	[sflag:s15] =	ssyncadd.s32 $0xFFFFF000;
	s11 =	sadd.s32 $0x600, s11;
	s13 =	sadd.s32 $0x16000, s13  }
0x88: {  	[tilespmem:s16], [sflag:$0x1] =	stream.linear.gather [hbm4b:s11+s3], $0x300, $0x38;
	[tilespmem:$0x19BA0] =	vst v63  }
0x89: {  	p0 =	sne.s32 s0, $0x1;
	s0 =	sadd.s32 $0xFFFFFFFF, s0;
	_ =	swait.ge [sflag:s15], $0x300  }
0x8a: {  	[sflag:s15] =	ssyncset.done $0x0  }
0x8b: {  	[sflag:s15] =	ssyncadd.s32 $0xFFFFFD00  }
0x8c: {  	[tilespmem:s3], [sflag:$0x1] =	stream.strided.gather [hbm4b:s13+s17], $0x5800, s18, s17, $0x38;
	[tilespmem:$0x19BA0] =	vst v63  }
0x8d: {  	_ =	swait.ge [sflag:s15], $0x5800  }
0x8e: {  	[sflag:s15] =	ssyncset.done $0x0  }
0x8f: {  	[sflag:s15] =	ssyncadd.s32 $0xFFFFA800  }
0x90: {  	[spmem:s2] =	stream.indirect.scatter.add.f32 [tilespmem:s3], [sflag:$0x1], $0x20, s16, s19, $0xb8;
	[tilespmem:$0x19BA0] =	vst v63  }
0x91: {  	_ =	swait.ge [sflag:s15], $0x1000  }
0x92: {  	[sflag:s15] =	ssyncset.done $0x0  }
0x93: {  	[sflag:s15] =	ssyncadd.s32 $0xFFFFF000  }
0x94: {  	[spmem:s2] =	stream.indirect.scatter.add.f32 [tilespmem:s21], [sflag:$0x1], $0x20, s20, s19, $0xb8;
	[tilespmem:$0x19BA0] =	vst v63  }
0x95: {  	_ =	swait.ge [sflag:s15], $0x1000  }
0x96: {  	[sflag:s15] =	ssyncset.done $0x0  }
0x97: {  	[sflag:s15] =	ssyncadd.s32 $0xFFFFF000  }
0x98: {  	[spmem:s2] =	stream.indirect.scatter.add.f32 [tilespmem:s23], [sflag:$0x1], $0x20, s22, s19, $0xb8;
	[tilespmem:$0x19BA0] =	vst v63  }
0x99: {  	_ =	swait.ge [sflag:s15], $0x1000  }
0x9a: {  	[sflag:s15] =	ssyncset.done $0x0  }
0x9b: {  	[sflag:s15] =	ssyncadd.s32 $0xFFFFF000  }
0x9c: {  	[spmem:s2] =	stream.indirect.scatter.add.f32 [tilespmem:s25], [sflag:$0x1], $0x20, s24, s19, $0xb8;
	[tilespmem:$0x19BA0] =	vst v63  }
0x9d: {  	_ =	swait.ge [sflag:s15], $0x1000  }
0x9e: {  	[sflag:s15] =	ssyncset.done $0x0  }
0x9f: {  	[sflag:s15] =	ssyncadd.s32 $0xFFFFF000  }
0xa0: {  	[spmem:s2] =	stream.indirect.scatter.add.f32 [tilespmem:s28], [sflag:$0x1], $0x20, s26, s19, $0xb8;
	[tilespmem:$0x19BA0] =	vst v63  }
0xa1: {  	_ =	swait.ge [sflag:s15], $0x1000  }
.Ltmp3:
0xa2: {  	[sflag:s15] =	ssyncset.done $0x0;
	(pc) =	sbr.rel @p0 .LBB2_4-.Ltmp3, $4  }
0xa3: {  	[sflag:s15] =	ssyncadd.s32 $0xFFFFF000  }
0xa4: {  	[spmem:s2] =	stream.indirect.scatter.add.f32 [tilespmem:s30], [sflag:$0x1], $0x20, s29, s19, $0xb8;
	[tilespmem:$0x19BA0] =	vst v63  }
0xa5: {  	_ =	swait.ge [sflag:s15], $0x1000  }
0xa6: {  	[sflag:s15] =	ssyncset.done $0x0  }
.LBB2_5:
0xa7: {  	[sflag:s15] =	ssyncadd.s32 $0xFFFFF000  }
0xa8: {  	s31 =	sadd.s32 $0x1, s31;
	[bflag:$0x0] =	sbarrier.arrive $0xFFFF  }
0xa9: {  	p0 =	sne.s32 s31, s10;
	s0 =	rddreg [dreg:$0x5]  }
0xaa: {  	[hbm:s0], [sflag:s5] =	dma.local [spmem:s1], $0x2710  }
.Ltmp4:
0xab: {  	_ =	swait.ge [sflag:s15], $0x2710;
	(pc) =	sbr.rel @p0 .LBB2_1-.Ltmp4, $3  }
0xac: {  	[sflag:s15] =	ssyncset.done $0x0  }
0xad: {  	[sflag:s15] =	ssyncadd.s32 $0xFFFFD8F0  }
0xae: {  	[bflag:$0x0] =	sbarrier.arrive $0xFFFF;
	_ =	sdelay $0x1  }
0xaf: {  	_ =	sfence.sel $0x180000  }
0xb0: {  	[bflag:$0x0] =	sbarrier.arrive $0xFFFF  }
0xb1: {  	_ =	strace $0x9000004A  }
0xb2: {  	s0 =	stileid.u32;
	[bflag:$0x2] =	sbarrier.arrive $0xFFFF  }
0xb3: {  	p0 =	sne.s32 s0, $0x0;
	s0 =	rddreg [dreg:$0x3]  }
0xb4: {  	s0 =	sadd.s32 @!p0 $0x100000, s0  }
0xb5: {  	[sflag:s0] =	ssyncadd.tile.s32 @!p0 $0x1;
	_ =	shalt  }
.Lfunc_end2:
_tile_overlayer_lowered:
.L_overlay_start_2:
0xb6: {  	(tag) =	ssettag $0x2  }
0xb7: {  	s0 =	rddreg [dreg:$0x0];
	s2 =	stileid.u32  }
0xb8: {  	s1 =	rddreg [dreg:$0x1];
	p0 =	sne.s32 s2, $0x0  }
0xb9: {  	s3 =	rddreg [dreg:$0x2];
	[bflag:$0x3] =	sbarrier.arrive $0xFFFF;
	s2 =	simm.s32 @!p0 $0x1C01  }
0xba: {  	[timem:s3], [sflag:s2] =	dma.local @!p0 [hbm:s0], s1  }
0xbb: {  	s0 =	simm.s32 @!p0 $0x1  }
0xbc: {  	_ =	swait.ge @!p0 [sflag:s0], s1  }
0xbd: {  	s1 =	ssub.s32 @!p0 $0x0, s1;
	[sflag:s0] =	ssyncset.done @!p0 $0x0  }
0xbe: {  	[sflag:s0] =	ssyncadd.s32 @!p0 s1  }
0xbf: {  	[bflag:$0x3] =	sbarrier.arrive $0xFFFF  }
0xc0: {  	_ =	shalt  }

// kernel: sparse-core-data-format-call.cloned.1.call-start
scs
called_computation_lowered:
.L_overlay_start_0:
0x0: {  	s2 =	sld [smem:$0x3FD9]  }
0x1: {  	s3 =	sld [smem:$0x3FFE];
	_ =	sdelay $0x1  }
0x2: {  	s1 =	srdreg.scid  }
0x3: {  	s0 =	sand.u32 $0x1, s1  }
0x4: {  	s18 =	sshll.u32 s0, $0xA;
	s2 =	sadd.s32 s3, s2  }
0x5: {  	s2 =	sadd.s32 s2, s18  }
0x6: {  	[smem:$0x3FC5] =	sst s2  }
0x7: {  	_ = 	snop  }
0x8: {  	s2 =	sld [smem:$0x3FC9];
	(tm) =	ssettm $0x1  }
0x9: {  	s19 =	sld [smem:$0x3FFB];
	_ =	sdelay $0x3  }
0xa: {  	_ =	strace s19  }
0xb: {  	s3 =	sld [smem:$0x3FFC];
	_ =	sdelay $0x3  }
0xc: {  	_ =	strace s3  }
0xd: {  	s3 =	sld [smem:$0x3FFD];
	_ =	sdelay $0x3  }
0xe: {  	_ =	strace s3  }
0xf: {  	_ =	strace $0x8FFFFFFF  }
0x10: {  	s20 =	sld [smem:$0x3FDB];
	_ =	sdelay $0x1  }
0x11: {  	s4 =	simm.s32 $_scs_section_size  }
0x12: {  	s5 =	simm.s32 $_size__tile_overlayer_lowered;
	s6 =	simm.s32 $_tile_overlayer_lowered  }
0x13: {  	s23 =	simm.s32 $0x1BFF;
	s22 =	sshll.u32 s6, $0x1;
	s3 =	sadd.s32 s4, s20  }
0x14: {  	s7 =	simm.s32 $0x0;
	s21 =	sshll.u32 s5, $0x1;
	s5 =	sadd.s32 s22, s3  }
0x15: {  	[timem:s7], [sflag:s23] =	dma.local [hbm:s5], s21  }
0x16: {  	_ =	swait.ge [sflag:s23], s21  }
0x17: {  	s4 =	ssub.s32 $0x0, s21;
	[sflag:s23] =	ssyncset.done $0x0  }
0x18: {  	[sflag:s23] =	ssyncadd.s32 s4;
	_ =	sdelay $0x1  }
0x19: {  	s24 =	simm.s32 $0x1B8B  }
0x1a: {  	_ =	swait.ge [sflag:s24], $0x1  }
0x1b: {  	[sflag:s24] =	ssyncset.done $0x0  }
0x1c: {  	s26 =	simm.s32 $0x1B8E;
	s25 =	sld [smem:$0x3FFE];
	[sflag:s24] =	ssyncadd.s32 $0xFFFFFFFF  }
0x1d: {  	s27 =	simm.s32 $execute0_lowered;
	[smem:$0x3FD2] =	sst s26  }
0x1e: {  	s5 =	sshll.u32 s27, $0x1;
	_ =	strace $0x80000046;
	[dreg:$0x1] =	wrdreg $0xFFFFFFFF  }
0x1f: {  	s28 =	simm.s32 $_size_execute0_lowered;
	s3 =	sadd.s32 s3, s5;
	[dreg:$0x0] =	wrdreg $0x0  }
0x20: {  	s5 =	sshll.u32 s28, $0x1;
	[dreg:$0x2] =	wrdreg s3  }
0x21: {  	[dreg:$0x3] =	wrdreg s5  }
0x22: {  	[dreg:$0x4] =	wrdreg $0xC0  }
0x23: {  	_ =	task [dreg:s7], $0x5FFFF  }
0x24: {  	[dreg:$0x1] =	wrdreg $0xFFFFFFFF  }
0x25: {  	[dreg:$0x0] =	wrdreg $0x60  }
0x26: {  	[dreg:$0x2] =	wrdreg s2  }
0x27: {  	[dreg:$0x3] =	wrdreg s25  }
0x28: {  	[dreg:$0x4] =	wrdreg $0x9  }
0x29: {  	_ =	task.clear_ibuf [dreg:s7], $0x5FFFF;
	_ =	strace $0x90000046  }
0x2a: {  	s29 =	simm.s32 $0x9;
	_ =	strace $0x80000048  }
0x2b: {  	_ =	swait.ge [sflag:s29], $0x1  }
0x2c: {  	[sflag:s29] =	ssyncadd.s32 $0xFFFFFFFF  }
0x2d: {  	_ =	strace $0x90000048  }
0x2e: {  	_ =	sfence  }
0x2f: {  	s30 =	sld [smem:$0x0];
	_ =	sdelay $0x2  }
0x30: {  	s31 =	sshll.u32 s1, $0xD;
	s1 =	sshrl.u32 s1, $0x2  }
0x31: {  	s3 =	sand.u32 $0x4000, s31;
	s1 =	sadd.s32 s1, s30  }
0x32: {  	s0 =	sor.u32 s3, s0;
	s1 =	sshll.u32 s1, $0x11  }
0x33: {  	s0 =	sor.u32 s1, s0  }
0x34: {  	s0 =	sadd.s32 $0x8F2B, s0  }
0x35: {  	[sflag:s0] =	ssyncadd.remote.s32 $0x1  }
0x36: {  	_ =	sfence.sel $0xFFFF  }
0x37: {  	[dreg:$0x0] =	wrdreg $0xFFFFFFFF;
	(pc) =	sbr.abs _section_cstart, $3  }
0x38: {  	[dreg:$0x1] =	wrdreg $0xFFFFFFFF  }
0x39: {  	_ =	task.clear_ibuf [dreg:s7], $0x2FFFF;
	_ =	strace $0x9FFFFFFF  }
0x3a: {  	(tm) =	ssettm $0x7FFFFFFF  }
0x3b: {  	_ =	shalt  }
tec
execute0_lowered:
.L_overlay_start_1:
0x0: {  	(tag) =	ssettag $0x1  }
0x1: {  	s3 =	stileid.u32  }
0x2: {  	s18 =	rddreg [dreg:$0x0];
	s0 =	srdreg.scid  }
0x3: {  	s7 =	rddreg [dreg:$0x1];
	_ =	strace $0x80000047;
	s6 =	simm.s32 $0x1  }
0x4: {  	s15 =	simm.s32 $0x2;
	s27 =	simm.s32 $0x0;
	s9 =	simm.s32 $0x0  }
0x5: {  	s29 =	simm.s32 $0x0;
	s1 =	sshrl.u32 s3, $0x1;
	s14 =	sadd.s32 $0xE00, s7  }
0x6: {  	s3 =	sand.u32 $0x1, s3;
	s16 =	sadd.s32 $0x1100, s7;
	[dreg:$0x3] =	wrdreg s14  }
0x7: {  	s0 =	sshll.u32 s0, $0x4;
	s17 =	sadd.s32 $0x1400, s7;
	[dreg:$0x4] =	wrdreg s16  }
0x8: {  	[sflag:s6] =	ssyncpa.u1 $0x0;
	s19 =	sadd.s32 $0x1700, s7;
	[dreg:$0x5] =	wrdreg s17  }
0x9: {  	s20 =	sadd.s32 $0x1A00, s7;
	s21 =	sadd.s32 $0x1D00, s7;
	[dreg:$0x6] =	wrdreg s19  }
0xa: {  	s22 =	sadd.s32 $0x2000, s7;
	s23 =	sadd.s32 $0x2300, s7;
	[dreg:$0x7] =	wrdreg s20  }
0xb: {  	s24 =	sadd.s32 $0x2600, s7;
	s25 =	sadd.s32 $0x2900, s7;
	[dreg:$0x8] =	wrdreg s21  }
0xc: {  	s26 =	sadd.s32 $0x2C00, s7;
	s2 =	ssub.s32 $0x6, s1;
	[dreg:$0x9] =	wrdreg s22  }
0xd: {  	s4 =	sand.u32 $0x10, s0;
	[dreg:$0xa] =	wrdreg s23;
	p0 =	sgt.s32 s2, $0x0  }
0xe: {  	s11 =	ssub.s32 $0x2, s3;
	[dreg:$0xb] =	wrdreg s24;
	s2 =	simm.s32 @!p0 $0x0  }
0xf: {  	s5 =	sshrl.u32 s11, $0x1;
	s0 =	sand.u32 $0x1, s11;
	s2 =	sadd.s32 $0x7, s2  }
0x10: {  	s12 =	ssub.s32 $0x20, s4;
	s0 =	sadd.s32 s0, s5;
	s2 =	sshrl.u32 s2, $0x3  }
0x11: {  	[dreg:$0xc] =	wrdreg s25;
	s5 =	sshrl.u32 s12, $0x5;
	s0 =	smul.u32 s2, s0  }
0x12: {  	[sflag:s15] =	ssyncpa.u1 $0x0;
	[dreg:$0xd] =	wrdreg s26;
	s13 =	sadd.s32 $0x1, s5  }
0x13: {  	s19 =	sadd.s32 $0x2F00, s7;
	s20 =	sadd.s32 $0x3200, s7;
	s0 =	smul.u32 s13, s0  }
.Ltmp0:
0x14: {  	s21 =	sadd.s32 $0x3500, s7;
	s22 =	sadd.s32 $0x3800, s7;
	(pc) =	sbr.rel .LBB1_1-.Ltmp0, $4  }
0x15: {  	s23 =	sadd.s32 $0x3B00, s7;
	s25 =	simm.s32 $0x40;
	s26 =	simm.s32 $0x80  }
0x16: {  	s7 =	simm.s32 $0x0;
	s30 =	smov.u32 s1;
	s8 =	smul.u32 $0x29, s0  }
0x17: {  	s31 =	smov.u32 s3;
	s28 =	smov.u32 s4;
	s5 =	simm.s32 $0x0  }
0x18: {  	s2 =	simm.s32 $0x0;
	s0 =	simm.s32 $0x0;
	s24 =	sadd.s32 $0x1, s8  }
.LBB1_7:
0x19: {  	s10 =	sadd.s32 $0x20, s28  }
0x1a: {  	s0 =	simm.s32 $0x1;
	p1 =	sgt.s32 s10, $0x2B  }
0x1b: {  	s0 =	simm.s32 @!p1 $0x0  }
0x1c: {  	s11 =	sadd.s32 s0, s29  }
0x1d: {  	s12 =	smov.u32 s30;
	s0 =	sadd.s32 $0x8, s30;
	p2 =	sgt.s32 s11, $0x28  }
0x1e: {  	s12 =	smov.u32 @p2 s0  }
0x1f: {  	s13 =	smov.u32 s31;
	s0 =	sadd.s32 $0x2, s31;
	p3 =	sgt.s32 s12, $0x5  }
0x20: {  	p0 =	slt.u32 s5, $0x2;
	s13 =	smov.u32 @p3 s0  }
0x21: {  	s2 =	smov.u32 s29;
	s10 =	smov.u32 @p1 s4;
	p1 =	sgt.s32 s13, $0x1  }
0x22: {  	s14 =	simm.s32 @!p0 $0x2;
	s13 =	smov.u32 @p1 s3;
	p1 =	sne.s32 s5, s24  }
.Ltmp1:
0x23: {  	s7 =	smov.u32 s30;
	_ =	swait.ge @!p0 [sflag:s14], $0x4000;
	(pc) =	sbr.rel @!p1 .LBB1_8-.Ltmp1, $4  }
0x24: {  	s9 =	smov.u32 s31;
	[sflag:s14] =	ssyncset.done @!p0 $0x0;
	s11 =	simm.s32 @p2 $0x0  }
0x25: {  	s27 =	sadd.s32 $0x4000, s27;
	[sflag:s14] =	ssyncadd.s32 @!p0 $0xFFFFC000;
	s29 =	smov.u32 s11  }
0x26: {  	s12 =	smov.u32 @p3 s1;
	s0 =	smov.u32 s28;
	s28 =	smov.u32 s10  }
0x27: {  	s30 =	smov.u32 s12;
	s5 =	sadd.s32 $0x1, s5;
	s31 =	smov.u32 s13  }
.LBB1_1:
0x28: {  	p0 =	sge.u32 s5, s8  }
0x29: {  	s11 =	smov.u32 s30;
	s13 =	smov.u32 s31;
	p1 =	sgt.s32 @!p0 s31, $0x1  }
0x2a: {  	p2 =	sgt.s32 @!p0 s30, $0x5;
	s10 =	sshra.s32 @!p0 s31, $0x1F;
	s12 =	sshra.s32 @!p0 s30, $0x1F  }
0x2b: {  	p1 =	por !p1, p0;
	p2 =	por !p2, p0;
	s10 =	sand.u32 @!p0 s10, s31  }
0x2c: {  	s12 =	sand.u32 @!p0 s12, s30;
	s11 =	simm.s32 @p2 $0x5;
	s13 =	simm.s32 @p1 $0x1  }
0x2d: {  	s10 =	sxor.u32 @!p0 $0xFFFFFFFF, s10;
	p2 =	sgt.s32 @!p0 s29, $0x28;
	s11 =	ssub.s32 @!p0 s11, s12  }
0x2e: {  	s10 =	sadd.s32 @!p0 s10, s13;
	p2 =	por !p2, p0;
	s12 =	sadd.s32 @!p0 $0xFFFFFFFB, s11  }
0x2f: {  	s13 =	sshra.s32 @!p0 s29, $0x1F;
	s11 =	ssub.s32 @!p0 $0x6, s11;
	p1 =	sgt.s32 @!p0 s12, $0x0  }
0x30: {  	s13 =	sand.u32 @!p0 s13, s29;
	s12 =	smov.u32 s29;
	p1 =	por !p1, p0  }
0x31: {  	s12 =	simm.s32 @p2 $0x28;
	p2 =	sgt.s32 @!p0 s28, $0x1C;
	s11 =	simm.s32 @!p1 $0x0  }
0x32: {  	s12 =	ssub.s32 @!p0 s12, s13;
	p1 =	por !p2, p0;
	s13 =	smov.u32 s28  }
0x33: {  	p2 =	sgt.s32 @!p0 s10, $0x0;
	s10 =	sshll.u32 @!p0 s10, $0xA;
	s14 =	sadd.s32 @!p0 $0xFFFFFFD8, s12  }
0x34: {  	s13 =	simm.s32 @p1 $0x1C;
	p1 =	sgt.s32 @!p0 s14, $0x0;
	s14 =	sshra.s32 @!p0 s28, $0x1F  }
0x35: {  	s10 =	ssub.s32 @!p0 $0x400, s10;
	p2 =	por !p2, p0;
	s14 =	sand.u32 @!p0 s14, s28  }
0x36: {  	s12 =	ssub.s32 @!p0 $0x29, s12;
	s10 =	simm.s32 @!p2 $0x0;
	s13 =	ssub.s32 @!p0 s13, s14  }
0x37: {  	p1 =	por !p1, p0;
	s10 =	smul.u32 @!p0 s11, s10;
	s14 =	sadd.s32 @!p0 $0xFFFFFFE4, s13  }
0x38: {  	s12 =	simm.s32 @!p1 $0x0;
	p1 =	sgt.s32 @!p0 s14, $0xF  }
0x39: {  	s11 =	ssub.s32 @!p0 $0x2C, s13;
	s10 =	smul.u32 @!p0 s12, s10;
	p1 =	por !p1, p0  }
0x3a: {  	s11 =	simm.s32 @!p1 $0x0  }
0x3b: {  	s10 =	smul.u32 @!p0 s11, s10  }
0x3c: {  	s11 =	smul.u32 @!p0 $0x2A4800, s31  }
0x3d: {  	s12 =	sxor.u32 @!p0 $0xFFFFFFFF, s5;
	s13 =	smul.u32 @!p0 $0x70C00, s30  }
0x3e: {  	s12 =	sshll.u32 @!p0 s12, $0xE;
	s14 =	smul.u32 @!p0 $0x2C00, s29;
	s11 =	sadd.s32 @!p0 s18, s11  }
0x3f: {  	s17 =	sadd.s32 $0xFFFFFFFF, s5;
	s12 =	sand.u32 @!p0 $0x4000, s12;
	s11 =	sadd.s32 @!p0 s13, s11  }
0x40: {  	s10 =	sand.u32 @!p0 $0x3FFFFC00, s10;
	s13 =	sshll.u32 @!p0 s28, $0x8;
	s11 =	sadd.s32 @!p0 s14, s11  }
0x41: {  	s14 =	simm.s32 @!p0 $0x80;
	s11 =	sadd.s32 @!p0 s13, s11;
	s13 =	simm.s32 @!p0 $0x40  }
0x42: {  	[tilespmem:s12], [sflag:$0x1] =	stream.strided.gather @!p0 [hbm4b:s11+s13], s10, s14, s13, $0x38;
	[tilespmem:$0x10000] =	vst v63  }
0x43: {  	p0 =	sge.u32 s17, s8  }
.Ltmp2:
0x44: {  	_ = 	snop;
	(pc) =	sbr.rel @p0 .LBB1_7-.Ltmp2, $1  }
0x45: {  	_ =	sdelay $0x3  }
0x46: {  	p0 =	sgt.s32 s9, $0x1  }
0x47: {  	s10 =	sshra.s32 s9, $0x1F;
	p1 =	sgt.s32 s7, $0x5;
	s11 =	smov.u32 s7  }
0x48: {  	s12 =	sshra.s32 s7, $0x1F;
	s13 =	smov.u32 s9;
	s15 =	sshra.s32 s2, $0x1F  }
0x49: {  	s14 =	smov.u32 s0;
	s10 =	sand.u32 s10, s9;
	s11 =	simm.s32 @!p1 $0x5  }
0x4a: {  	s12 =	sand.u32 s12, s7;
	s13 =	simm.s32 @!p0 $0x1;
	s10 =	sxor.u32 $0xFFFFFFFF, s10  }
0x4b: {  	p1 =	sgt.s32 s2, $0x28;
	s11 =	ssub.s32 s11, s12;
	s10 =	sadd.s32 s10, s13  }
0x4c: {  	s12 =	sadd.s32 $0xFFFFFFFB, s11;
	s11 =	ssub.s32 $0x6, s11;
	s13 =	sand.u32 s15, s2  }
0x4d: {  	s15 =	sshra.s32 s0, $0x1F;
	p0 =	sgt.s32 s12, $0x0;
	s12 =	smov.u32 s2  }
0x4e: {  	s16 =	sand.u32 s15, s0;
	s12 =	simm.s32 @!p1 $0x28;
	p1 =	sgt.s32 s10, $0x0  }
0x4f: {  	s11 =	simm.s32 @p0 $0x0;
	p0 =	sgt.s32 s0, $0x1C;
	s10 =	sshll.u32 s10, $0xA  }
0x50: {  	s12 =	ssub.s32 s12, s13;
	s14 =	simm.s32 @!p0 $0x1C;
	s10 =	ssub.s32 $0x400, s10  }
0x51: {  	s13 =	sadd.s32 $0xFFFFFFD8, s12;
	s10 =	simm.s32 @p1 $0x0;
	s12 =	ssub.s32 $0x29, s12  }
0x52: {  	p0 =	sgt.s32 s13, $0x0;
	s13 =	ssub.s32 s14, s16;
	s10 =	smul.u32 s11, s10  }
0x53: {  	s12 =	simm.s32 @p0 $0x0;
	s17 =	sadd.s32 $0xFFFFFFE4, s13  }
0x54: {  	s11 =	ssub.s32 $0x2C, s13;
	p0 =	sgt.s32 s17, $0xF;
	s10 =	smul.u32 s12, s10  }
0x55: {  	s11 =	simm.s32 @p0 $0x0  }
0x56: {  	s10 =	smul.u32 s11, s10;
	_ =	sdelay $0x1  }
0x57: {  	s14 =	sand.u32 $0x4000, s27;
	s16 =	sshll.u32 s5, $0xE;
	s10 =	sand.u32 $0x3FFFFC00, s10  }
0x58: {  	s15 =	sor.u32 $0x8020, s14;
	s13 =	sor.u32 $0x20, s14;
	_ =	swait.ge [sflag:s6], s10  }
0x59: {  	s17 =	ssub.s32 $0x0, s10;
	s10 =	sand.u32 $0x4000, s16;
	[sflag:s6] =	ssyncset.done $0x0  }
0x5a: {  	s14 =	simm.s32 $0x0;
	s11 =	sor.u32 $0x8000, s10;
	[sflag:s6] =	ssyncadd.s32 s17  }
.LBB1_3:
0x5b: {  	v0 =	vmov s13;
	_ =	sdelay $0x3  }
0x5c: {  	s12 =	simm.s32 $0x0  }
0x5d: {  	v3 =	vld.idx.msk [tilespmem:v0+s12+$0x10 ss:$0x1], $0xffff  }
0x5e: {  	v4 =	vld.idx.msk [tilespmem:v0+s12+$0xFFFFFFE0 ss:$0x1], $0xffff  }
0x5f: {  	v1 =	vld.idx.msk [tilespmem:v0+s12+$0xFFFFFFF0 ss:$0x1], $0xffff  }
0x60: {  	s16 =	simm.s32 $0x100;
	v2 =	vld.idx.msk [tilespmem:v0+s12+$0x0 ss:$0x1], $0xffff;
	s12 =	smov.u32 s15  }
.LBB1_4:
0x61: {  	s17 =	sshra.s32 s16, $0x2;
	p0 =	sne.s32 s16, $0xF00;
	s16 =	sadd.s32 $0x100, s16  }
.Ltmp3:
0x62: {  	[tilespmem:s12+$0x10] =	vst v3;
	v3 =	vld.idx.msk [tilespmem:v0+s17+$0x10 ss:$0x1], $0xffff;
	(pc) =	sbr.rel @p0 .LBB1_4-.Ltmp3, $4  }
0x63: {  	[tilespmem:s12+$0xFFFFFFE0] =	vst v4;
	v4 =	vld.idx.msk [tilespmem:v0+s17+$0xFFFFFFE0 ss:$0x1], $0xffff  }
0x64: {  	[tilespmem:s12+$0xFFFFFFF0] =	vst v1;
	v1 =	vld.idx.msk [tilespmem:v0+s17+$0xFFFFFFF0 ss:$0x1], $0xffff  }
0x65: {  	[tilespmem:s12+$0x0] =	vst v2;
	v2 =	vld.idx.msk [tilespmem:v0+s17+$0x0 ss:$0x1], $0xffff  }
0x66: {  	s12 =	sadd.s32 $0x400, s12  }
0x67: {  	s14 =	sadd.s32 $0x1, s14  }
0x68: {  	p0 =	sne.s32 s14, $0x10  }
.Ltmp4:
0x69: {  	_ = 	snop;
	(pc) =	sbr.rel @p0 .LBB1_3-.Ltmp4, $4  }
0x6a: {  	[tilespmem:s12+$0x10] =	vst v3  }
0x6b: {  	[tilespmem:s12+$0xFFFFFFE0] =	vst v4  }
0x6c: {  	[tilespmem:s12+$0xFFFFFFF0] =	vst v1  }
0x6d: {  	s15 =	sadd.s32 $0x40, s15;
	s13 =	sadd.s32 $0x400, s13;
	[tilespmem:s12+$0x0] =	vst v2  }
0x6e: {  	s0 =	sand.u32 $0x1FFFFFF, s0;
	s9 =	smul.u32 $0x2E2000, s9  }
0x6f: {  	s12 =	smulhi.u32 $0x5555556, s0  }
0x70: {  	s7 =	smul.u32 $0x7B000, s7  }
0x71: {  	s12 =	smul.u32 $0x30, s12  }
0x72: {  	s2 =	smul.u32 $0x3000, s2  }
0x73: {  	s7 =	sadd.s32 s9, s7;
	s0 =	ssub.s32 s0, s12  }
0x74: {  	s2 =	sadd.s32 s2, s7;
	s0 =	sshll.u32 s0, $0x4  }
0x75: {  	s15 =	rddreg [dreg:$0x3];
	s7 =	sor.u32 s2, s0  }
0x76: {  	s16 =	rddreg [dreg:$0x4];
	s9 =	sadd.s32 s15, s7  }
0x77: {  	[hbm4b:s9+s25] =	stream.strided.scatter [tilespmem:s11], [sflag:$0x2], $0x400, s26, s25, $0x38;
	[tilespmem:$0x10000] =	vst v63  }
0x78: {  	s9 =	sadd.s32 s2, s16  }
0x79: {  	s17 =	sadd.s32 $0x8400, s10;
	s12 =	rddreg [dreg:$0x5];
	s9 =	sadd.s32 s0, s9  }
0x7a: {  	[hbm4b:s9+s25] =	stream.strided.scatter [tilespmem:s17], [sflag:$0x2], $0x400, s26, s25, $0x38;
	[tilespmem:$0x10000] =	vst v63  }
0x7b: {  	s9 =	sadd.s32 s2, s12  }
0x7c: {  	s13 =	sadd.s32 $0x8800, s10;
	s14 =	rddreg [dreg:$0x6];
	s9 =	sadd.s32 s0, s9  }
0x7d: {  	[hbm4b:s9+s25] =	stream.strided.scatter [tilespmem:s13], [sflag:$0x2], $0x400, s26, s25, $0x38;
	[tilespmem:$0x10000] =	vst v63  }
0x7e: {  	s9 =	sadd.s32 s2, s14  }
0x7f: {  	s15 =	sadd.s32 $0x8C00, s10;
	s17 =	rddreg [dreg:$0x7];
	s9 =	sadd.s32 s0, s9  }
0x80: {  	[hbm4b:s9+s25] =	stream.strided.scatter [tilespmem:s15], [sflag:$0x2], $0x400, s26, s25, $0x38;
	[tilespmem:$0x10000] =	vst v63  }
0x81: {  	s16 =	sadd.s32 $0x9000, s10;
	s12 =	rddreg [dreg:$0x8];
	s7 =	sadd.s32 s7, s17  }
0x82: {  	[hbm4b:s7+s25] =	stream.strided.scatter [tilespmem:s16], [sflag:$0x2], $0x400, s26, s25, $0x38;
	[tilespmem:$0x10000] =	vst v63  }
0x83: {  	s7 =	sadd.s32 s2, s12  }
0x84: {  	s13 =	sadd.s32 $0x9400, s10;
	s14 =	rddreg [dreg:$0x9];
	s7 =	sadd.s32 s0, s7  }
0x85: {  	[hbm4b:s7+s25] =	stream.strided.scatter [tilespmem:s13], [sflag:$0x2], $0x400, s26, s25, $0x38;
	[tilespmem:$0x10000] =	vst v63  }
0x86: {  	s7 =	sadd.s32 s2, s14  }
0x87: {  	s15 =	sadd.s32 $0x9800, s10;
	s16 =	rddreg [dreg:$0xa];
	s7 =	sadd.s32 s0, s7  }
0x88: {  	[hbm4b:s7+s25] =	stream.strided.scatter [tilespmem:s15], [sflag:$0x2], $0x400, s26, s25, $0x38;
	[tilespmem:$0x10000] =	vst v63  }
0x89: {  	s7 =	sadd.s32 s2, s16  }
0x8a: {  	s17 =	sadd.s32 $0x9C00, s10;
	s9 =	rddreg [dreg:$0xb];
	s7 =	sadd.s32 s0, s7  }
0x8b: {  	[hbm4b:s7+s25] =	stream.strided.scatter [tilespmem:s17], [sflag:$0x2], $0x400, s26, s25, $0x38;
	[tilespmem:$0x10000] =	vst v63  }
0x8c: {  	s7 =	sadd.s32 s2, s9  }
0x8d: {  	s11 =	sadd.s32 $0xA000, s10;
	s12 =	rddreg [dreg:$0xc];
	s7 =	sadd.s32 s0, s7  }
0x8e: {  	[hbm4b:s7+s25] =	stream.strided.scatter [tilespmem:s11], [sflag:$0x2], $0x400, s26, s25, $0x38;
	[tilespmem:$0x10000] =	vst v63  }
0x8f: {  	s7 =	sadd.s32 s2, s12  }
0x90: {  	s13 =	sadd.s32 $0xA400, s10;
	s14 =	rddreg [dreg:$0xd];
	s7 =	sadd.s32 s0, s7  }
0x91: {  	[hbm4b:s7+s25] =	stream.strided.scatter [tilespmem:s13], [sflag:$0x2], $0x400, s26, s25, $0x38;
	[tilespmem:$0x10000] =	vst v63  }
0x92: {  	s7 =	sadd.s32 s2, s14  }
0x93: {  	s15 =	sadd.s32 $0xA800, s10;
	s16 =	sadd.s32 s2, s19;
	s7 =	sadd.s32 s0, s7  }
0x94: {  	[hbm4b:s7+s25] =	stream.strided.scatter [tilespmem:s15], [sflag:$0x2], $0x400, s26, s25, $0x38;
	[tilespmem:$0x10000] =	vst v63  }
0x95: {  	s17 =	sadd.s32 $0xAC00, s10;
	s11 =	sadd.s32 s2, s20;
	s7 =	sadd.s32 s0, s16  }
0x96: {  	[hbm4b:s7+s25] =	stream.strided.scatter [tilespmem:s17], [sflag:$0x2], $0x400, s26, s25, $0x38;
	[tilespmem:$0x10000] =	vst v63  }
0x97: {  	s12 =	sadd.s32 $0xB000, s10;
	s13 =	sadd.s32 s2, s21;
	s7 =	sadd.s32 s0, s11  }
0x98: {  	[hbm4b:s7+s25] =	stream.strided.scatter [tilespmem:s12], [sflag:$0x2], $0x400, s26, s25, $0x38;
	[tilespmem:$0x10000] =	vst v63  }
0x99: {  	s14 =	sadd.s32 $0xB400, s10;
	s7 =	sadd.s32 s0, s13  }
0x9a: {  	[hbm4b:s7+s25] =	stream.strided.scatter [tilespmem:s14], [sflag:$0x2], $0x400, s26, s25, $0x38;
	[tilespmem:$0x10000] =	vst v63  }
.Ltmp5:
0x9b: {  	s15 =	sadd.s32 s2, s22;
	(pc) =	sbr.rel .LBB1_7-.Ltmp5, $4  }
0x9c: {  	s16 =	sadd.s32 $0xB800, s10;
	s2 =	sadd.s32 s2, s23;
	s7 =	sadd.s32 s0, s15  }
0x9d: {  	[hbm4b:s7+s25] =	stream.strided.scatter [tilespmem:s16], [sflag:$0x2], $0x400, s26, s25, $0x38;
	[tilespmem:$0x10000] =	vst v63  }
0x9e: {  	s17 =	sadd.s32 $0xBC00, s10;
	s0 =	sadd.s32 s0, s2  }
0x9f: {  	[hbm4b:s0+s25] =	stream.strided.scatter [tilespmem:s17], [sflag:$0x2], $0x400, s26, s25, $0x38;
	[tilespmem:$0x10000] =	vst v63  }
.LBB1_8:
0xa0: {  	_ =	sfence.sel $0x180000  }
0xa1: {  	s0 =	simm.s32 $0x1;
	[bflag:$0x0] =	sbarrier.arrive $0xFFFF  }
0xa2: {  	s30 =	simm.s32 $0x2;
	[sflag:s0] =	ssyncpa.u1 $0x1  }
0xa3: {  	[sflag:s30] =	ssyncpa.u1 $0x1  }
0xa4: {  	_ =	strace $0x90000047  }
0xa5: {  	s31 =	stileid.u32;
	[bflag:$0x2] =	sbarrier.arrive $0xFFFF  }
0xa6: {  	p0 =	sne.s32 s31, $0x0;
	s0 =	rddreg [dreg:$0x2]  }
0xa7: {  	s0 =	sadd.s32 @!p0 $0x100000, s0  }
0xa8: {  	[sflag:s0] =	ssyncadd.tile.s32 @!p0 $0x1;
	_ =	shalt  }
.Lfunc_end1:
_tile_overlayer_lowered:
.L_overlay_start_2:
0xa9: {  	(tag) =	ssettag $0x2  }
0xaa: {  	s0 =	rddreg [dreg:$0x0];
	s2 =	stileid.u32  }
0xab: {  	s1 =	rddreg [dreg:$0x1];
	p0 =	sne.s32 s2, $0x0  }
0xac: {  	s3 =	rddreg [dreg:$0x2];
	[bflag:$0x3] =	sbarrier.arrive $0xFFFF;
	s2 =	simm.s32 @!p0 $0x1C01  }
0xad: {  	[timem:s3], [sflag:s2] =	dma.local @!p0 [hbm:s0], s1  }
0xae: {  	s0 =	simm.s32 @!p0 $0x1  }
0xaf: {  	_ =	swait.ge @!p0 [sflag:s0], s1  }
0xb0: {  	s1 =	ssub.s32 @!p0 $0x0, s1;
	[sflag:s0] =	ssyncset.done @!p0 $0x0  }
0xb1: {  	[sflag:s0] =	ssyncadd.s32 @!p0 s1  }
0xb2: {  	[bflag:$0x3] =	sbarrier.arrive $0xFFFF  }
0xb3: {  	_ =	shalt  }

</sc_bundles>
